<compile_context>
chip_gen: v7x
topology: tpu7x:2x2x1
jax: 0.10.2.dev20260603
libtpu: 0.0.44.dev20260713+nightly
codegen_flags: <defaults>
</compile_context>

<pallas_src>
import functools

import jax
import jax.numpy as jnp
from jax import lax
from jax.experimental import pallas as pl
from jax.experimental.pallas import tpu as pltpu
from jax.experimental.pallas import tpu_sc as plsc

NUM_KMERS = 4096
DIM = 10000
DIM_PAD = 10112
MAX_POSITIONS = 1000
POS_PAD = 1024
BATCH = 1024
SEQ = 20
LANES = 16
DGROUP = 8

NUM_CORES = 2
NUM_SUBCORES = 16
NUM_WORKERS = NUM_CORES * NUM_SUBCORES
NGROUPS = DIM // DGROUP
GGROUPS = DIM_PAD // DGROUP
KMAX = (NGROUPS + NUM_WORKERS - 1) // NUM_WORKERS
EMB_TILES = NUM_KMERS // 128
POS_TILES = POS_PAD // 128
BTILES = BATCH // 128


def _sig_body(in_ref, out_ref):
    out_ref[:, :DIM] = jax.nn.sigmoid(in_ref[...])
    out_ref[:, DIM:] = jnp.ones((in_ref.shape[0], DIM_PAD - DIM), jnp.float32)


def _sigmoid_wide(position_embeddings):
    return pl.pallas_call(
        _sig_body,
        grid=(5,),
        in_specs=[pl.BlockSpec((200, DIM), lambda i: (i, 0))],
        out_specs=pl.BlockSpec((200, DIM_PAD), lambda i: (i, 0)),
        out_shape=jax.ShapeDtypeStruct((POS_PAD, DIM_PAD), jnp.float32),
    )(position_embeddings)


def _t_gate_body(in_ref, out_ref):
    out_ref[...] = in_ref[...].T


def _transpose_gate(gate_wide):
    return pl.pallas_call(
        _t_gate_body,
        grid=(10,),
        in_specs=[pl.BlockSpec((POS_PAD, 1024), lambda c: (0, c))],
        out_specs=pl.BlockSpec((1024, POS_PAD), lambda c: (c, 0)),
        out_shape=jax.ShapeDtypeStruct((DIM_PAD, POS_PAD), jnp.float32),
    )(gate_wide)


_sc_mesh = plsc.VectorSubcoreMesh(core_axis_name="c", subcore_axis_name="s")


@functools.partial(
    pl.kernel,
    mesh=_sc_mesh,
    compiler_params=pltpu.CompilerParams(use_tc_tiling_on_sc=False,
                                         needs_layout_passes=False),
    out_type=jax.ShapeDtypeStruct((SEQ, NGROUPS, BTILES, DGROUP, 128),
                                  jnp.float32),
    scratch_types=[
        pltpu.VMEM((SEQ, BATCH), jnp.int32),
        pltpu.VMEM((EMB_TILES, DGROUP, 128), jnp.float32),
        pltpu.VMEM((EMB_TILES, DGROUP, 128), jnp.float32),
        pltpu.VMEM((POS_TILES, DGROUP, 128), jnp.float32),
        pltpu.VMEM((POS_TILES, DGROUP, 128), jnp.float32),
        pltpu.VMEM((BTILES, DGROUP, 128), jnp.float32),
        pltpu.VMEM((BTILES, DGROUP, 128), jnp.float32),
        pltpu.SemaphoreType.DMA,
        pltpu.SemaphoreType.DMA,
        pltpu.SemaphoreType.DMA,
    ],
)
def _sc_gather_mul(embT_hbm, gateT_hbm, packed_hbm, out_hbm,
                   packed_v, embT_v0, embT_v1, gateT_v0, gateT_v1,
                   ob0, ob1, sem0, sem1, sem_in):
    wid = lax.axis_index("s") * NUM_CORES + lax.axis_index("c")
    pltpu.sync_copy(packed_hbm, packed_v)
    obufs = (ob0, ob1)
    sems = (sem0, sem1)
    embufs = (embT_v0, embT_v1)
    gtbufs = (gateT_v0, gateT_v1)
    rvs = [jnp.full((LANES,), r, jnp.int32) for r in range(DGROUP)]

    def issue_faces(g, kp):
        pltpu.async_copy(embT_hbm.at[g], embufs[kp], sem_in)
        pltpu.async_copy(gateT_hbm.at[g], gtbufs[kp], sem_in)

    def wait_faces(g, kp):
        pltpu.make_async_copy(embT_hbm.at[g], embufs[kp], sem_in).wait()
        pltpu.make_async_copy(gateT_hbm.at[g], gtbufs[kp], sem_in).wait()

    issue_faces(wid, 0)

    def pair_body(i, carry):
        for kp in range(2):
            k = i * 2 + kp
            g = k * NUM_WORKERS + wid

            @pl.when(g + NUM_WORKERS < NGROUPS)
            def _():
                issue_faces(g + NUM_WORKERS, 1 - kp)

            @pl.when(g < NGROUPS)
            def _():
                wait_faces(g, kp)
                embT_v = embufs[kp]
                gateT_v = gtbufs[kp]

                def s_body(si, c2):
                    for sp in range(2):
                        s = si * 2 + sp

                        @pl.when(k * SEQ + s >= 2)
                        def _():
                            pltpu.make_async_copy(
                                obufs[sp], out_hbm.at[s, g], sems[sp]).wait()

                        @plsc.parallel_loop(0, BATCH // LANES, unroll=2)
                        def _(bb):
                            tb = bb // 8
                            off = (bb % 8) * LANES
                            pv = packed_v[s, pl.ds(bb * LANES, LANES)]
                            iv = pv & 0xFFF
                            qv = lax.shift_right_logical(pv, 16)
                            it = lax.shift_right_logical(iv, 7)
                            il = iv & 127
                            qt = lax.shift_right_logical(qv, 7)
                            ql = qv & 127
                            es = [plsc.load_gather(embT_v, [it, rvs[r], il])
                                  for r in range(DGROUP)]
                            gs = [plsc.load_gather(gateT_v, [qt, rvs[r], ql])
                                  for r in range(DGROUP)]
                            for r in range(DGROUP):
                                obufs[sp][tb, r, pl.ds(off, LANES)] = es[r] * gs[r]
                        pltpu.async_copy(obufs[sp], out_hbm.at[s, g], sems[sp])
                    return c2

                lax.fori_loop(0, SEQ // 2, s_body, 0)

        return carry

    lax.fori_loop(0, KMAX // 2, pair_body, 0)
    for sp in range(2):
        pltpu.make_async_copy(obufs[sp], out_hbm.at[0, 0], sems[sp]).wait()


def kernel(embeddings, position_embeddings, indices, positions):
    embT = jnp.transpose(embeddings)
    gateT = _transpose_gate(_sigmoid_wide(position_embeddings))
    embT4 = jnp.transpose(
        embT.reshape(NGROUPS, DGROUP, EMB_TILES, 128), (0, 2, 1, 3))
    gateT4 = jnp.transpose(
        gateT.reshape(GGROUPS, DGROUP, POS_TILES, 128), (0, 2, 1, 3))
    packed = jnp.transpose(indices | (positions << 16))
    out5 = _sc_gather_mul(embT4, gateT4, packed)
    return jnp.transpose(out5, (2, 4, 0, 1, 3)).reshape(BATCH, SEQ, DIM)

# --- scband reference (transcript-rebuilt; emitter-appended) ---
"""Pipeline reference for scband-learned-item-memory-50002009260299 (READ-ONLY COPY).

The authoritative reference and input builder live on the scoring server;
editing this copy changes nothing except your own understanding.
"""

import jax, jax.numpy as jnp
import numpy as np

NUM_KMERS = 4 ** 6  # 4096
DIM = 10000
MAX_POSITIONS = 1000
BATCH = 1024
SEQ = 20


def setup_inputs(seed: int = 0) -> dict:
    key = jax.random.key(seed)
    k1, k2, k3, k4 = jax.random.split(key, 4)
    embeddings = jax.random.normal(k1, (NUM_KMERS, DIM), dtype=jnp.float32) * 0.1
    position_embeddings = jax.random.normal(k2, (MAX_POSITIONS, DIM), dtype=jnp.float32) * 0.1
    indices = jax.random.randint(k3, (BATCH, SEQ), 0, NUM_KMERS, dtype=jnp.int32)
    positions = jax.random.randint(k4, (BATCH, SEQ), 0, MAX_POSITIONS, dtype=jnp.int32)
    return {
        "embeddings": embeddings,
        "position_embeddings": position_embeddings,
        "indices": indices,
        "positions": positions,
    }


def reference(embeddings, position_embeddings, indices, positions):
    # Vectorized version of LearnedItemMemory.get_kmer_vector over a batch
    # of kmer indices and positions:
    #   vec = embeddings[idx]
    #   vec = vec * sigmoid(position_embeddings[position])   (use_position_encoding=True)
    vec = jnp.take(embeddings, indices, axis=0)               # [B, S, DIM] gather
    gate = jax.nn.sigmoid(jnp.take(position_embeddings, positions, axis=0))  # [B, S, DIM]
    return vec * gate

if __name__ == "__main__":
    import jax
    _d = setup_inputs()
    print(jax.jit(kernel)(*tuple(_d.values())))

</pallas_src>

<mosaic_0001>
#map = affine_map<(d0, d1) -> (0, 0, 0, 0)>
#map1 = affine_map<(d0, d1) -> (0, 0)>
#map2 = affine_map<(d0, d1) -> (0, 0, 0, 0, 0)>
module attributes {stable_mosaic.version = 14 : i64} {
  func.func @_sc_gather_mul(%arg0: i32, %arg1: i32, %arg2: memref<1250x32x8x128xf32, #tpu.memory_space<hbm>>, %arg3: memref<1264x8x8x128xf32, #tpu.memory_space<hbm>>, %arg4: memref<20x1024xi32, #tpu.memory_space<hbm>>, %arg5: memref<20x1250x8x8x128xf32, #tpu.memory_space<hbm>>, %arg6: memref<20x1024xi32, #tpu.memory_space<vmem>>, %arg7: memref<32x8x128xf32, #tpu.memory_space<vmem>>, %arg8: memref<32x8x128xf32, #tpu.memory_space<vmem>>, %arg9: memref<8x8x128xf32, #tpu.memory_space<vmem>>, %arg10: memref<8x8x128xf32, #tpu.memory_space<vmem>>, %arg11: memref<8x8x128xf32, #tpu.memory_space<vmem>>, %arg12: memref<8x8x128xf32, #tpu.memory_space<vmem>>, %arg13: memref<!tpu.dma_semaphore, #tpu.memory_space<semaphore_mem>>, %arg14: memref<!tpu.dma_semaphore, #tpu.memory_space<semaphore_mem>>, %arg15: memref<!tpu.dma_semaphore, #tpu.memory_space<semaphore_mem>>) attributes {dimension_semantics = [#tpu.dimension_semantics<core_parallel>, #tpu.dimension_semantics<subcore_parallel>], iteration_bounds = array<i64: 2, 16>, scalar_prefetch = 0 : i64, scratch_operands = 10 : i64, tpu.core_type = #tpu.core_type<sc_vector_subcore>, window_params = [{transform_indices = #map}, {transform_indices = #map}, {transform_indices = #map1}, {transform_indices = #map2}]} {
    %mul3A = arith.constant 2 : i32
    %mul3A_0 = arith.muli %arg1, %mul3A : i32
    %add3A = arith.addi %mul3A_0, %arg0 : i32
    "tpu.region"() ({
      %run_scoped3A = tpu.sem_alloc : memref<!tpu.dma_semaphore, #tpu.memory_space<semaphore_mem>>
      tpu.enqueue_dma source(%arg4 : memref<20x1024xi32, #tpu.memory_space<hbm>>) target(%arg6 : memref<20x1024xi32, #tpu.memory_space<vmem>>) target_semaphore(%run_scoped3A : memref<!tpu.dma_semaphore, #tpu.memory_space<semaphore_mem>>)
      tpu.wait_dma2 semaphore(%run_scoped3A : memref<!tpu.dma_semaphore, #tpu.memory_space<semaphore_mem>>) src(%arg4 : memref<20x1024xi32, #tpu.memory_space<hbm>>) dst(%arg6 : memref<20x1024xi32, #tpu.memory_space<vmem>>)
      tpu.yield
    }) : () -> ()
    %broadcast_in_dim3A = arith.constant 0 : i32
    %broadcast_in_dim3A_1 = vector.broadcast %broadcast_in_dim3A : i32 to vector<16xi32>
    %broadcast_in_dim3A_2 = arith.constant 1 : i32
    %broadcast_in_dim3A_3 = vector.broadcast %broadcast_in_dim3A_2 : i32 to vector<16xi32>
    %broadcast_in_dim3A_4 = arith.constant 2 : i32
    %broadcast_in_dim3A_5 = vector.broadcast %broadcast_in_dim3A_4 : i32 to vector<16xi32>
    %broadcast_in_dim3A_6 = arith.constant 3 : i32
    %broadcast_in_dim3A_7 = vector.broadcast %broadcast_in_dim3A_6 : i32 to vector<16xi32>
    %broadcast_in_dim3A_8 = arith.constant 4 : i32
    %broadcast_in_dim3A_9 = vector.broadcast %broadcast_in_dim3A_8 : i32 to vector<16xi32>
    %broadcast_in_dim3A_10 = arith.constant 5 : i32
    %broadcast_in_dim3A_11 = vector.broadcast %broadcast_in_dim3A_10 : i32 to vector<16xi32>
    %broadcast_in_dim3A_12 = arith.constant 6 : i32
    %broadcast_in_dim3A_13 = vector.broadcast %broadcast_in_dim3A_12 : i32 to vector<16xi32>
    %broadcast_in_dim3A_14 = arith.constant 7 : i32
    %broadcast_in_dim3A_15 = vector.broadcast %broadcast_in_dim3A_14 : i32 to vector<16xi32>
    %dma_start3A = arith.constant 0 : i32
    %dma_start3A_16 = arith.constant 0 : i32
    %dma_start3A_17 = arith.constant 0 : i32
    %dma_start3A_18 = tpu.memref_slice %arg2[%add3A, %dma_start3A, %dma_start3A_16, %dma_start3A_17] : memref<1250x32x8x128xf32, #tpu.memory_space<hbm>> -> memref<1x32x8x128xf32, #tpu.memory_space<hbm>>
    %dma_start3A_19 = tpu.memref_squeeze %dma_start3A_18 : memref<1x32x8x128xf32, #tpu.memory_space<hbm>> -> memref<32x8x128xf32, #tpu.memory_space<hbm>>
    %dma_start3A_20 = arith.constant 0 : i32
    %dma_start3A_21 = arith.constant 0 : i32
    %dma_start3A_22 = arith.constant 0 : i32
    %dma_start3A_23 = tpu.memref_slice %arg2[%add3A, %dma_start3A_20, %dma_start3A_21, %dma_start3A_22] : memref<1250x32x8x128xf32, #tpu.memory_space<hbm>> -> memref<1x32x8x128xf32, #tpu.memory_space<hbm>>
    %dma_start3A_24 = tpu.memref_squeeze %dma_start3A_23 : memref<1x32x8x128xf32, #tpu.memory_space<hbm>> -> memref<32x8x128xf32, #tpu.memory_space<hbm>>
    tpu.enqueue_dma source(%dma_start3A_24 : memref<32x8x128xf32, #tpu.memory_space<hbm>>) target(%arg7 : memref<32x8x128xf32, #tpu.memory_space<vmem>>) target_semaphore(%arg15 : memref<!tpu.dma_semaphore, #tpu.memory_space<semaphore_mem>>)
    %dma_start3A_25 = arith.constant 0 : i32
    %dma_start3A_26 = arith.constant 0 : i32
    %dma_start3A_27 = arith.constant 0 : i32
    %dma_start3A_28 = tpu.memref_slice %arg3[%add3A, %dma_start3A_25, %dma_start3A_26, %dma_start3A_27] : memref<1264x8x8x128xf32, #tpu.memory_space<hbm>> -> memref<1x8x8x128xf32, #tpu.memory_space<hbm>>
    %dma_start3A_29 = tpu.memref_squeeze %dma_start3A_28 : memref<1x8x8x128xf32, #tpu.memory_space<hbm>> -> memref<8x8x128xf32, #tpu.memory_space<hbm>>
    %dma_start3A_30 = arith.constant 0 : i32
    %dma_start3A_31 = arith.constant 0 : i32
    %dma_start3A_32 = arith.constant 0 : i32
    %dma_start3A_33 = tpu.memref_slice %arg3[%add3A, %dma_start3A_30, %dma_start3A_31, %dma_start3A_32] : memref<1264x8x8x128xf32, #tpu.memory_space<hbm>> -> memref<1x8x8x128xf32, #tpu.memory_space<hbm>>
    %dma_start3A_34 = tpu.memref_squeeze %dma_start3A_33 : memref<1x8x8x128xf32, #tpu.memory_space<hbm>> -> memref<8x8x128xf32, #tpu.memory_space<hbm>>
    tpu.enqueue_dma source(%dma_start3A_34 : memref<8x8x128xf32, #tpu.memory_space<hbm>>) target(%arg9 : memref<8x8x128xf32, #tpu.memory_space<vmem>>) target_semaphore(%arg15 : memref<!tpu.dma_semaphore, #tpu.memory_space<semaphore_mem>>)
    %scan3A = arith.constant 0 : i32
    %scan3A_35 = arith.constant 0 : i32
    %scan3A_36 = arith.constant 20 : i32
    %scan3A_37 = arith.addi %scan3A_35, %scan3A_36 : i32
    %scan3A_38 = arith.constant 1 : i32
    scf.for %scan3A_63 = %scan3A_35 to %scan3A_37 step %scan3A_38  : i32 {
      %mul3A_64 = arith.constant 2 : i32
      %mul3A_65 = arith.muli %scan3A_63, %mul3A_64 : i32
      %add3A_66 = arith.constant 0 : i32
      %add3A_67 = arith.addi %mul3A_65, %add3A_66 : i32
      %mul3A_68 = arith.constant 32 : i32
      %mul3A_69 = arith.muli %add3A_67, %mul3A_68 : i32
      %add3A_70 = arith.addi %mul3A_69, %add3A : i32
      %add3A_71 = arith.constant 32 : i32
      %add3A_72 = arith.addi %add3A_70, %add3A_71 : i32
      %lt3A = arith.constant 1250 : i32
      %lt3A_73 = arith.cmpi slt, %add3A_72, %lt3A : i32
      %convert_element_type3A = arith.extui %lt3A_73 : i1 to i32
      %cond3A = arith.constant 0 : i32
      %cond3A_74 = arith.cmpi ne, %convert_element_type3A, %cond3A : i32
      scf.if %cond3A_74 {
        %add3A_99 = arith.constant 32 : i32
        %add3A_100 = arith.addi %add3A_70, %add3A_99 : i32
        %dma_start3A_101 = arith.constant 0 : i32
        %dma_start3A_102 = arith.constant 0 : i32
        %dma_start3A_103 = arith.constant 0 : i32
        %dma_start3A_104 = tpu.memref_slice %arg2[%add3A_100, %dma_start3A_101, %dma_start3A_102, %dma_start3A_103] : memref<1250x32x8x128xf32, #tpu.memory_space<hbm>> -> memref<1x32x8x128xf32, #tpu.memory_space<hbm>>
        %dma_start3A_105 = tpu.memref_squeeze %dma_start3A_104 : memref<1x32x8x128xf32, #tpu.memory_space<hbm>> -> memref<32x8x128xf32, #tpu.memory_space<hbm>>
        %dma_start3A_106 = arith.constant 0 : i32
        %dma_start3A_107 = arith.constant 0 : i32
        %dma_start3A_108 = arith.constant 0 : i32
        %dma_start3A_109 = tpu.memref_slice %arg2[%add3A_100, %dma_start3A_106, %dma_start3A_107, %dma_start3A_108] : memref<1250x32x8x128xf32, #tpu.memory_space<hbm>> -> memref<1x32x8x128xf32, #tpu.memory_space<hbm>>
        %dma_start3A_110 = tpu.memref_squeeze %dma_start3A_109 : memref<1x32x8x128xf32, #tpu.memory_space<hbm>> -> memref<32x8x128xf32, #tpu.memory_space<hbm>>
        tpu.enqueue_dma source(%dma_start3A_110 : memref<32x8x128xf32, #tpu.memory_space<hbm>>) target(%arg8 : memref<32x8x128xf32, #tpu.memory_space<vmem>>) target_semaphore(%arg15 : memref<!tpu.dma_semaphore, #tpu.memory_space<semaphore_mem>>)
        %dma_start3A_111 = arith.constant 0 : i32
        %dma_start3A_112 = arith.constant 0 : i32
        %dma_start3A_113 = arith.constant 0 : i32
        %dma_start3A_114 = tpu.memref_slice %arg3[%add3A_100, %dma_start3A_111, %dma_start3A_112, %dma_start3A_113] : memref<1264x8x8x128xf32, #tpu.memory_space<hbm>> -> memref<1x8x8x128xf32, #tpu.memory_space<hbm>>
        %dma_start3A_115 = tpu.memref_squeeze %dma_start3A_114 : memref<1x8x8x128xf32, #tpu.memory_space<hbm>> -> memref<8x8x128xf32, #tpu.memory_space<hbm>>
        %dma_start3A_116 = arith.constant 0 : i32
        %dma_start3A_117 = arith.constant 0 : i32
        %dma_start3A_118 = arith.constant 0 : i32
        %dma_start3A_119 = tpu.memref_slice %arg3[%add3A_100, %dma_start3A_116, %dma_start3A_117, %dma_start3A_118] : memref<1264x8x8x128xf32, #tpu.memory_space<hbm>> -> memref<1x8x8x128xf32, #tpu.memory_space<hbm>>
        %dma_start3A_120 = tpu.memref_squeeze %dma_start3A_119 : memref<1x8x8x128xf32, #tpu.memory_space<hbm>> -> memref<8x8x128xf32, #tpu.memory_space<hbm>>
        tpu.enqueue_dma source(%dma_start3A_120 : memref<8x8x128xf32, #tpu.memory_space<hbm>>) target(%arg10 : memref<8x8x128xf32, #tpu.memory_space<vmem>>) target_semaphore(%arg15 : memref<!tpu.dma_semaphore, #tpu.memory_space<semaphore_mem>>)
      } else {
      }
      %lt3A_75 = arith.constant 1250 : i32
      %lt3A_76 = arith.cmpi slt, %add3A_70, %lt3A_75 : i32
      %convert_element_type3A_77 = arith.extui %lt3A_76 : i1 to i32
      %cond3A_78 = arith.constant 0 : i32
      %cond3A_79 = arith.cmpi ne, %convert_element_type3A_77, %cond3A_78 : i32
      scf.if %cond3A_79 {
        %dma_wait3A_99 = arith.constant 0 : i32
        %dma_wait3A_100 = arith.constant 0 : i32
        %dma_wait3A_101 = arith.constant 0 : i32
        %dma_wait3A_102 = tpu.memref_slice %arg2[%add3A_70, %dma_wait3A_99, %dma_wait3A_100, %dma_wait3A_101] : memref<1250x32x8x128xf32, #tpu.memory_space<hbm>> -> memref<1x32x8x128xf32, #tpu.memory_space<hbm>>
        %dma_wait3A_103 = tpu.memref_squeeze %dma_wait3A_102 : memref<1x32x8x128xf32, #tpu.memory_space<hbm>> -> memref<32x8x128xf32, #tpu.memory_space<hbm>>
        %dma_wait3A_104 = arith.constant 0 : i32
        %dma_wait3A_105 = arith.constant 0 : i32
        %dma_wait3A_106 = arith.constant 0 : i32
        %dma_wait3A_107 = tpu.memref_slice %arg2[%add3A_70, %dma_wait3A_104, %dma_wait3A_105, %dma_wait3A_106] : memref<1250x32x8x128xf32, #tpu.memory_space<hbm>> -> memref<1x32x8x128xf32, #tpu.memory_space<hbm>>
        %dma_wait3A_108 = tpu.memref_squeeze %dma_wait3A_107 : memref<1x32x8x128xf32, #tpu.memory_space<hbm>> -> memref<32x8x128xf32, #tpu.memory_space<hbm>>
        tpu.wait_dma2 semaphore(%arg15 : memref<!tpu.dma_semaphore, #tpu.memory_space<semaphore_mem>>) src(%dma_wait3A_108 : memref<32x8x128xf32, #tpu.memory_space<hbm>>) dst(%arg7 : memref<32x8x128xf32, #tpu.memory_space<vmem>>)
        %dma_wait3A_109 = arith.constant 0 : i32
        %dma_wait3A_110 = arith.constant 0 : i32
        %dma_wait3A_111 = arith.constant 0 : i32
        %dma_wait3A_112 = tpu.memref_slice %arg3[%add3A_70, %dma_wait3A_109, %dma_wait3A_110, %dma_wait3A_111] : memref<1264x8x8x128xf32, #tpu.memory_space<hbm>> -> memref<1x8x8x128xf32, #tpu.memory_space<hbm>>
        %dma_wait3A_113 = tpu.memref_squeeze %dma_wait3A_112 : memref<1x8x8x128xf32, #tpu.memory_space<hbm>> -> memref<8x8x128xf32, #tpu.memory_space<hbm>>
        %dma_wait3A_114 = arith.constant 0 : i32
        %dma_wait3A_115 = arith.constant 0 : i32
        %dma_wait3A_116 = arith.constant 0 : i32
        %dma_wait3A_117 = tpu.memref_slice %arg3[%add3A_70, %dma_wait3A_114, %dma_wait3A_115, %dma_wait3A_116] : memref<1264x8x8x128xf32, #tpu.memory_space<hbm>> -> memref<1x8x8x128xf32, #tpu.memory_space<hbm>>
        %dma_wait3A_118 = tpu.memref_squeeze %dma_wait3A_117 : memref<1x8x8x128xf32, #tpu.memory_space<hbm>> -> memref<8x8x128xf32, #tpu.memory_space<hbm>>
        tpu.wait_dma2 semaphore(%arg15 : memref<!tpu.dma_semaphore, #tpu.memory_space<semaphore_mem>>) src(%dma_wait3A_118 : memref<8x8x128xf32, #tpu.memory_space<hbm>>) dst(%arg9 : memref<8x8x128xf32, #tpu.memory_space<vmem>>)
        %scan3A_119 = arith.constant 0 : i32
        %scan3A_120 = arith.constant 0 : i32
        %scan3A_121 = arith.constant 10 : i32
        %scan3A_122 = arith.addi %scan3A_120, %scan3A_121 : i32
        %scan3A_123 = arith.constant 1 : i32
        scf.for %scan3A_125 = %scan3A_120 to %scan3A_122 step %scan3A_123  : i32 {
          %mul3A_126 = arith.constant 2 : i32
          %mul3A_127 = arith.muli %scan3A_125, %mul3A_126 : i32
          %add3A_128 = arith.constant 0 : i32
          %add3A_129 = arith.addi %mul3A_127, %add3A_128 : i32
          %mul3A_130 = arith.constant 20 : i32
          %mul3A_131 = arith.muli %add3A_67, %mul3A_130 : i32
          %add3A_132 = arith.addi %mul3A_131, %add3A_129 : i32
          %ge3A = arith.constant 2 : i32
          %ge3A_133 = arith.cmpi sge, %add3A_132, %ge3A : i32
          %convert_element_type3A_134 = arith.extui %ge3A_133 : i1 to i32
          %cond3A_135 = arith.constant 0 : i32
          %cond3A_136 = arith.cmpi ne, %convert_element_type3A_134, %cond3A_135 : i32
          scf.if %cond3A_136 {
            %dma_wait3A_174 = arith.constant 0 : i32
            %dma_wait3A_175 = arith.constant 0 : i32
            %dma_wait3A_176 = arith.constant 0 : i32
            %dma_wait3A_177 = tpu.memref_slice %arg5[%add3A_129, %add3A_70, %dma_wait3A_174, %dma_wait3A_175, %dma_wait3A_176] : memref<20x1250x8x8x128xf32, #tpu.memory_space<hbm>> -> memref<1x1x8x8x128xf32, #tpu.memory_space<hbm>>
            %dma_wait3A_178 = tpu.memref_squeeze %dma_wait3A_177 : memref<1x1x8x8x128xf32, #tpu.memory_space<hbm>> -> memref<8x8x128xf32, #tpu.memory_space<hbm>>
            %dma_wait3A_179 = arith.constant 0 : i32
            %dma_wait3A_180 = arith.constant 0 : i32
            %dma_wait3A_181 = arith.constant 0 : i32
            %dma_wait3A_182 = tpu.memref_slice %arg5[%add3A_129, %add3A_70, %dma_wait3A_179, %dma_wait3A_180, %dma_wait3A_181] : memref<20x1250x8x8x128xf32, #tpu.memory_space<hbm>> -> memref<1x1x8x8x128xf32, #tpu.memory_space<hbm>>
            %dma_wait3A_183 = tpu.memref_squeeze %dma_wait3A_182 : memref<1x1x8x8x128xf32, #tpu.memory_space<hbm>> -> memref<8x8x128xf32, #tpu.memory_space<hbm>>
            tpu.wait_dma2 semaphore(%arg13 : memref<!tpu.dma_semaphore, #tpu.memory_space<semaphore_mem>>) src(%arg11 : memref<8x8x128xf32, #tpu.memory_space<vmem>>) dst(%dma_wait3A_183 : memref<8x8x128xf32, #tpu.memory_space<hbm>>)
          } else {
          }
          %parallel_loop3A = arith.constant 0 : i32
          %parallel_loop3A_137 = arith.constant 64 : i32
          %parallel_loop3A_138 = arith.constant 1 : i32
          scf.for %parallel_loop3A_174 = %parallel_loop3A to %parallel_loop3A_137 step %parallel_loop3A_138  : i32 {
            %parallel_loop3A_175 = arith.constant 8 : i32
            %parallel_loop3A_176 = arith.divsi %parallel_loop3A_174, %parallel_loop3A_175 : i32
            %parallel_loop3A_177 = arith.constant 0 : i32
            %parallel_loop3A_178 = arith.cmpi sgt, %parallel_loop3A_174, %parallel_loop3A_177 : i32
            %parallel_loop3A_179 = arith.extui %parallel_loop3A_178 : i1 to i32
            %parallel_loop3A_180 = arith.constant 0 : i32
            %parallel_loop3A_181 = arith.cmpi slt, %parallel_loop3A_174, %parallel_loop3A_180 : i32
            %parallel_loop3A_182 = arith.extui %parallel_loop3A_181 : i1 to i32
            %parallel_loop3A_183 = arith.subi %parallel_loop3A_179, %parallel_loop3A_182 : i32
            %parallel_loop3A_184 = arith.constant 0 : i32
            %parallel_loop3A_185 = arith.cmpi sgt, %parallel_loop3A_175, %parallel_loop3A_184 : i32
            %parallel_loop3A_186 = arith.extui %parallel_loop3A_185 : i1 to i32
            %parallel_loop3A_187 = arith.constant 0 : i32
            %parallel_loop3A_188 = arith.cmpi slt, %parallel_loop3A_175, %parallel_loop3A_187 : i32
            %parallel_loop3A_189 = arith.extui %parallel_loop3A_188 : i1 to i32
            %parallel_loop3A_190 = arith.subi %parallel_loop3A_186, %parallel_loop3A_189 : i32
            %parallel_loop3A_191 = arith.cmpi ne, %parallel_loop3A_183, %parallel_loop3A_190 : i32
            %parallel_loop3A_192 = arith.remsi %parallel_loop3A_174, %parallel_loop3A_175 : i32
            %parallel_loop3A_193 = arith.constant 0 : i32
            %parallel_loop3A_194 = arith.cmpi ne, %parallel_loop3A_192, %parallel_loop3A_193 : i32
            %parallel_loop3A_195 = arith.andi %parallel_loop3A_191, %parallel_loop3A_194 : i1
            %parallel_loop3A_196 = arith.constant 1 : i32
            %parallel_loop3A_197 = arith.subi %parallel_loop3A_176, %parallel_loop3A_196 : i32
            %parallel_loop3A_198 = arith.select %parallel_loop3A_195, %parallel_loop3A_197, %parallel_loop3A_176 : i32
            %parallel_loop3A_199 = arith.constant 8 : i32
            %parallel_loop3A_200 = arith.constant 0 : i32
            %parallel_loop3A_201 = arith.cmpi eq, %parallel_loop3A_199, %parallel_loop3A_200 : i32
            %parallel_loop3A_202 = arith.constant 1 : i32
            %parallel_loop3A_203 = arith.select %parallel_loop3A_201, %parallel_loop3A_202, %parallel_loop3A_199 : i32
            %parallel_loop3A_204 = arith.remsi %parallel_loop3A_174, %parallel_loop3A_203 : i32
            %parallel_loop3A_205 = arith.constant 0 : i32
            %parallel_loop3A_206 = arith.cmpi ne, %parallel_loop3A_204, %parallel_loop3A_205 : i32
            %parallel_loop3A_207 = arith.constant 0 : i32
            %parallel_loop3A_208 = arith.cmpi slt, %parallel_loop3A_204, %parallel_loop3A_207 : i32
            %parallel_loop3A_209 = arith.constant 0 : i32
            %parallel_loop3A_210 = arith.cmpi slt, %parallel_loop3A_203, %parallel_loop3A_209 : i32
            %parallel_loop3A_211 = arith.xori %parallel_loop3A_208, %parallel_loop3A_210 : i1
            %parallel_loop3A_212 = arith.andi %parallel_loop3A_211, %parallel_loop3A_206 : i1
            %parallel_loop3A_213 = arith.addi %parallel_loop3A_204, %parallel_loop3A_203 : i32
            %parallel_loop3A_214 = arith.select %parallel_loop3A_212, %parallel_loop3A_213, %parallel_loop3A_204 : i32
            %parallel_loop3A_215 = arith.constant 16 : i32
            %parallel_loop3A_216 = arith.muli %parallel_loop3A_214, %parallel_loop3A_215 : i32
            %parallel_loop3A_217 = arith.constant 16 : i32
            %parallel_loop3A_218 = arith.muli %parallel_loop3A_174, %parallel_loop3A_217 : i32
            %parallel_loop3A_219 = arith.index_cast %add3A_129 : i32 to index
            %parallel_loop3A_220 = arith.index_cast %parallel_loop3A_218 : i32 to index
            %parallel_loop3A_221 = tpu.vector_load %arg6[%parallel_loop3A_219, %parallel_loop3A_220] {strides = array<i32>} : memref<20x1024xi32, #tpu.memory_space<vmem>>, vector<16xi32>,
            %parallel_loop3A_222 = arith.constant 4095 : i32
            %parallel_loop3A_223 = vector.broadcast %parallel_loop3A_222 : i32 to vector<16xi32>
            %parallel_loop3A_224 = arith.andi %parallel_loop3A_221, %parallel_loop3A_223 : vector<16xi32>
            %parallel_loop3A_225 = arith.constant 16 : i32
            %parallel_loop3A_226 = vector.broadcast %parallel_loop3A_225 : i32 to vector<16xi32>
            %parallel_loop3A_227 = arith.shrui %parallel_loop3A_221, %parallel_loop3A_226 : vector<16xi32>
            %parallel_loop3A_228 = arith.constant 7 : i32
            %parallel_loop3A_229 = vector.broadcast %parallel_loop3A_228 : i32 to vector<16xi32>
            %parallel_loop3A_230 = arith.shrui %parallel_loop3A_224, %parallel_loop3A_229 : vector<16xi32>
            %parallel_loop3A_231 = arith.constant 127 : i32
            %parallel_loop3A_232 = vector.broadcast %parallel_loop3A_231 : i32 to vector<16xi32>
            %parallel_loop3A_233 = arith.andi %parallel_loop3A_224, %parallel_loop3A_232 : vector<16xi32>
            %parallel_loop3A_234 = arith.constant 7 : i32
            %parallel_loop3A_235 = vector.broadcast %parallel_loop3A_234 : i32 to vector<16xi32>
            %parallel_loop3A_236 = arith.shrui %parallel_loop3A_227, %parallel_loop3A_235 : vector<16xi32>
            %parallel_loop3A_237 = arith.constant 127 : i32
            %parallel_loop3A_238 = vector.broadcast %parallel_loop3A_237 : i32 to vector<16xi32>
            %parallel_loop3A_239 = arith.andi %parallel_loop3A_227, %parallel_loop3A_238 : vector<16xi32>
            %parallel_loop3A_240 = tpu.vector_load_idx %arg7[%parallel_loop3A_230, %broadcast_in_dim3A_1, %parallel_loop3A_233] : memref<32x8x128xf32, #tpu.memory_space<vmem>>[vector<16xi32>, vector<16xi32>, vector<16xi32>], vector<16xf32>,
            %parallel_loop3A_241 = tpu.vector_load_idx %arg7[%parallel_loop3A_230, %broadcast_in_dim3A_3, %parallel_loop3A_233] : memref<32x8x128xf32, #tpu.memory_space<vmem>>[vector<16xi32>, vector<16xi32>, vector<16xi32>], vector<16xf32>,
            %parallel_loop3A_242 = tpu.vector_load_idx %arg7[%parallel_loop3A_230, %broadcast_in_dim3A_5, %parallel_loop3A_233] : memref<32x8x128xf32, #tpu.memory_space<vmem>>[vector<16xi32>, vector<16xi32>, vector<16xi32>], vector<16xf32>,
            %parallel_loop3A_243 = tpu.vector_load_idx %arg7[%parallel_loop3A_230, %broadcast_in_dim3A_7, %parallel_loop3A_233] : memref<32x8x128xf32, #tpu.memory_space<vmem>>[vector<16xi32>, vector<16xi32>, vector<16xi32>], vector<16xf32>,
            %parallel_loop3A_244 = tpu.vector_load_idx %arg7[%parallel_loop3A_230, %broadcast_in_dim3A_9, %parallel_loop3A_233] : memref<32x8x128xf32, #tpu.memory_space<vmem>>[vector<16xi32>, vector<16xi32>, vector<16xi32>], vector<16xf32>,
            %parallel_loop3A_245 = tpu.vector_load_idx %arg7[%parallel_loop3A_230, %broadcast_in_dim3A_11, %parallel_loop3A_233] : memref<32x8x128xf32, #tpu.memory_space<vmem>>[vector<16xi32>, vector<16xi32>, vector<16xi32>], vector<16xf32>,
            %parallel_loop3A_246 = tpu.vector_load_idx %arg7[%parallel_loop3A_230, %broadcast_in_dim3A_13, %parallel_loop3A_233] : memref<32x8x128xf32, #tpu.memory_space<vmem>>[vector<16xi32>, vector<16xi32>, vector<16xi32>], vector<16xf32>,
            %parallel_loop3A_247 = tpu.vector_load_idx %arg7[%parallel_loop3A_230, %broadcast_in_dim3A_15, %parallel_loop3A_233] : memref<32x8x128xf32, #tpu.memory_space<vmem>>[vector<16xi32>, vector<16xi32>, vector<16xi32>], vector<16xf32>,
            %parallel_loop3A_248 = tpu.vector_load_idx %arg9[%parallel_loop3A_236, %broadcast_in_dim3A_1, %parallel_loop3A_239] : memref<8x8x128xf32, #tpu.memory_space<vmem>>[vector<16xi32>, vector<16xi32>, vector<16xi32>], vector<16xf32>,
            %parallel_loop3A_249 = tpu.vector_load_idx %arg9[%parallel_loop3A_236, %broadcast_in_dim3A_3, %parallel_loop3A_239] : memref<8x8x128xf32, #tpu.memory_space<vmem>>[vector<16xi32>, vector<16xi32>, vector<16xi32>], vector<16xf32>,
            %parallel_loop3A_250 = tpu.vector_load_idx %arg9[%parallel_loop3A_236, %broadcast_in_dim3A_5, %parallel_loop3A_239] : memref<8x8x128xf32, #tpu.memory_space<vmem>>[vector<16xi32>, vector<16xi32>, vector<16xi32>], vector<16xf32>,
            %parallel_loop3A_251 = tpu.vector_load_idx %arg9[%parallel_loop3A_236, %broadcast_in_dim3A_7, %parallel_loop3A_239] : memref<8x8x128xf32, #tpu.memory_space<vmem>>[vector<16xi32>, vector<16xi32>, vector<16xi32>], vector<16xf32>,
            %parallel_loop3A_252 = tpu.vector_load_idx %arg9[%parallel_loop3A_236, %broadcast_in_dim3A_9, %parallel_loop3A_239] : memref<8x8x128xf32, #tpu.memory_space<vmem>>[vector<16xi32>, vector<16xi32>, vector<16xi32>], vector<16xf32>,
            %parallel_loop3A_253 = tpu.vector_load_idx %arg9[%parallel_loop3A_236, %broadcast_in_dim3A_11, %parallel_loop3A_239] : memref<8x8x128xf32, #tpu.memory_space<vmem>>[vector<16xi32>, vector<16xi32>, vector<16xi32>], vector<16xf32>,
            %parallel_loop3A_254 = tpu.vector_load_idx %arg9[%parallel_loop3A_236, %broadcast_in_dim3A_13, %parallel_loop3A_239] : memref<8x8x128xf32, #tpu.memory_space<vmem>>[vector<16xi32>, vector<16xi32>, vector<16xi32>], vector<16xf32>,
            %parallel_loop3A_255 = tpu.vector_load_idx %arg9[%parallel_loop3A_236, %broadcast_in_dim3A_15, %parallel_loop3A_239] : memref<8x8x128xf32, #tpu.memory_space<vmem>>[vector<16xi32>, vector<16xi32>, vector<16xi32>], vector<16xf32>,
            %parallel_loop3A_256 = arith.mulf %parallel_loop3A_240, %parallel_loop3A_248 : vector<16xf32>
            %parallel_loop3A_257 = arith.constant 0 : i32
            %parallel_loop3A_258 = arith.index_cast %parallel_loop3A_198 : i32 to index
            %parallel_loop3A_259 = arith.index_cast %parallel_loop3A_257 : i32 to index
            %parallel_loop3A_260 = arith.index_cast %parallel_loop3A_216 : i32 to index
            %parallel_loop3A_261 = tpu.vector_load %arg11[%parallel_loop3A_258, %parallel_loop3A_259, %parallel_loop3A_260] {strides = array<i32>} : memref<8x8x128xf32, #tpu.memory_space<vmem>>, vector<16xf32>,
            tpu.vector_store %arg11[%parallel_loop3A_258, %parallel_loop3A_259, %parallel_loop3A_260], %parallel_loop3A_256 {strides = array<i32>} : memref<8x8x128xf32, #tpu.memory_space<vmem>>, vector<16xf32>,
            %parallel_loop3A_262 = arith.mulf %parallel_loop3A_241, %parallel_loop3A_249 : vector<16xf32>
            %parallel_loop3A_263 = arith.constant 1 : i32
            %parallel_loop3A_264 = arith.index_cast %parallel_loop3A_198 : i32 to index
            %parallel_loop3A_265 = arith.index_cast %parallel_loop3A_263 : i32 to index
            %parallel_loop3A_266 = arith.index_cast %parallel_loop3A_216 : i32 to index
            %parallel_loop3A_267 = tpu.vector_load %arg11[%parallel_loop3A_264, %parallel_loop3A_265, %parallel_loop3A_266] {strides = array<i32>} : memref<8x8x128xf32, #tpu.memory_space<vmem>>, vector<16xf32>,
            tpu.vector_store %arg11[%parallel_loop3A_264, %parallel_loop3A_265, %parallel_loop3A_266], %parallel_loop3A_262 {strides = array<i32>} : memref<8x8x128xf32, #tpu.memory_space<vmem>>, vector<16xf32>,
            %parallel_loop3A_268 = arith.mulf %parallel_loop3A_242, %parallel_loop3A_250 : vector<16xf32>
            %parallel_loop3A_269 = arith.constant 2 : i32
            %parallel_loop3A_270 = arith.index_cast %parallel_loop3A_198 : i32 to index
            %parallel_loop3A_271 = arith.index_cast %parallel_loop3A_269 : i32 to index
            %parallel_loop3A_272 = arith.index_cast %parallel_loop3A_216 : i32 to index
            %parallel_loop3A_273 = tpu.vector_load %arg11[%parallel_loop3A_270, %parallel_loop3A_271, %parallel_loop3A_272] {strides = array<i32>} : memref<8x8x128xf32, #tpu.memory_space<vmem>>, vector<16xf32>,
            tpu.vector_store %arg11[%parallel_loop3A_270, %parallel_loop3A_271, %parallel_loop3A_272], %parallel_loop3A_268 {strides = array<i32>} : memref<8x8x128xf32, #tpu.memory_space<vmem>>, vector<16xf32>,
            %parallel_loop3A_274 = arith.mulf %parallel_loop3A_243, %parallel_loop3A_251 : vector<16xf32>
            %parallel_loop3A_275 = arith.constant 3 : i32
            %parallel_loop3A_276 = arith.index_cast %parallel_loop3A_198 : i32 to index
            %parallel_loop3A_277 = arith.index_cast %parallel_loop3A_275 : i32 to index
            %parallel_loop3A_278 = arith.index_cast %parallel_loop3A_216 : i32 to index
            %parallel_loop3A_279 = tpu.vector_load %arg11[%parallel_loop3A_276, %parallel_loop3A_277, %parallel_loop3A_278] {strides = array<i32>} : memref<8x8x128xf32, #tpu.memory_space<vmem>>, vector<16xf32>,
            tpu.vector_store %arg11[%parallel_loop3A_276, %parallel_loop3A_277, %parallel_loop3A_278], %parallel_loop3A_274 {strides = array<i32>} : memref<8x8x128xf32, #tpu.memory_space<vmem>>, vector<16xf32>,
            %parallel_loop3A_280 = arith.mulf %parallel_loop3A_244, %parallel_loop3A_252 : vector<16xf32>
            %parallel_loop3A_281 = arith.constant 4 : i32
            %parallel_loop3A_282 = arith.index_cast %parallel_loop3A_198 : i32 to index
            %parallel_loop3A_283 = arith.index_cast %parallel_loop3A_281 : i32 to index
            %parallel_loop3A_284 = arith.index_cast %parallel_loop3A_216 : i32 to index
            %parallel_loop3A_285 = tpu.vector_load %arg11[%parallel_loop3A_282, %parallel_loop3A_283, %parallel_loop3A_284] {strides = array<i32>} : memref<8x8x128xf32, #tpu.memory_space<vmem>>, vector<16xf32>,
            tpu.vector_store %arg11[%parallel_loop3A_282, %parallel_loop3A_283, %parallel_loop3A_284], %parallel_loop3A_280 {strides = array<i32>} : memref<8x8x128xf32, #tpu.memory_space<vmem>>, vector<16xf32>,
            %parallel_loop3A_286 = arith.mulf %parallel_loop3A_245, %parallel_loop3A_253 : vector<16xf32>
            %parallel_loop3A_287 = arith.constant 5 : i32
            %parallel_loop3A_288 = arith.index_cast %parallel_loop3A_198 : i32 to index
            %parallel_loop3A_289 = arith.index_cast %parallel_loop3A_287 : i32 to index
            %parallel_loop3A_290 = arith.index_cast %parallel_loop3A_216 : i32 to index
            %parallel_loop3A_291 = tpu.vector_load %arg11[%parallel_loop3A_288, %parallel_loop3A_289, %parallel_loop3A_290] {strides = array<i32>} : memref<8x8x128xf32, #tpu.memory_space<vmem>>, vector<16xf32>,
            tpu.vector_store %arg11[%parallel_loop3A_288, %parallel_loop3A_289, %parallel_loop3A_290], %parallel_loop3A_286 {strides = array<i32>} : memref<8x8x128xf32, #tpu.memory_space<vmem>>, vector<16xf32>,
            %parallel_loop3A_292 = arith.mulf %parallel_loop3A_246, %parallel_loop3A_254 : vector<16xf32>
            %parallel_loop3A_293 = arith.constant 6 : i32
            %parallel_loop3A_294 = arith.index_cast %parallel_loop3A_198 : i32 to index
            %parallel_loop3A_295 = arith.index_cast %parallel_loop3A_293 : i32 to index
            %parallel_loop3A_296 = arith.index_cast %parallel_loop3A_216 : i32 to index
            %parallel_loop3A_297 = tpu.vector_load %arg11[%parallel_loop3A_294, %parallel_loop3A_295, %parallel_loop3A_296] {strides = array<i32>} : memref<8x8x128xf32, #tpu.memory_space<vmem>>, vector<16xf32>,
            tpu.vector_store %arg11[%parallel_loop3A_294, %parallel_loop3A_295, %parallel_loop3A_296], %parallel_loop3A_292 {strides = array<i32>} : memref<8x8x128xf32, #tpu.memory_space<vmem>>, vector<16xf32>,
            %parallel_loop3A_298 = arith.mulf %parallel_loop3A_247, %parallel_loop3A_255 : vector<16xf32>
            %parallel_loop3A_299 = arith.constant 7 : i32
            %parallel_loop3A_300 = arith.index_cast %parallel_loop3A_198 : i32 to index
            %parallel_loop3A_301 = arith.index_cast %parallel_loop3A_299 : i32 to index
            %parallel_loop3A_302 = arith.index_cast %parallel_loop3A_216 : i32 to index
            %parallel_loop3A_303 = tpu.vector_load %arg11[%parallel_loop3A_300, %parallel_loop3A_301, %parallel_loop3A_302] {strides = array<i32>} : memref<8x8x128xf32, #tpu.memory_space<vmem>>, vector<16xf32>,
            tpu.vector_store %arg11[%parallel_loop3A_300, %parallel_loop3A_301, %parallel_loop3A_302], %parallel_loop3A_298 {strides = array<i32>} : memref<8x8x128xf32, #tpu.memory_space<vmem>>, vector<16xf32>,
          } {sc.loop_unroll_factor = 2 : i64, sc.parallel_access}
          %dma_start3A_139 = arith.constant 0 : i32
          %dma_start3A_140 = arith.constant 0 : i32
          %dma_start3A_141 = arith.constant 0 : i32
          %dma_start3A_142 = tpu.memref_slice %arg5[%add3A_129, %add3A_70, %dma_start3A_139, %dma_start3A_140, %dma_start3A_141] : memref<20x1250x8x8x128xf32, #tpu.memory_space<hbm>> -> memref<1x1x8x8x128xf32, #tpu.memory_space<hbm>>
          %dma_start3A_143 = tpu.memref_squeeze %dma_start3A_142 : memref<1x1x8x8x128xf32, #tpu.memory_space<hbm>> -> memref<8x8x128xf32, #tpu.memory_space<hbm>>
          %dma_start3A_144 = arith.constant 0 : i32
          %dma_start3A_145 = arith.constant 0 : i32
          %dma_start3A_146 = arith.constant 0 : i32
          %dma_start3A_147 = tpu.memref_slice %arg5[%add3A_129, %add3A_70, %dma_start3A_144, %dma_start3A_145, %dma_start3A_146] : memref<20x1250x8x8x128xf32, #tpu.memory_space<hbm>> -> memref<1x1x8x8x128xf32, #tpu.memory_space<hbm>>
          %dma_start3A_148 = tpu.memref_squeeze %dma_start3A_147 : memref<1x1x8x8x128xf32, #tpu.memory_space<hbm>> -> memref<8x8x128xf32, #tpu.memory_space<hbm>>
          tpu.enqueue_dma source(%arg11 : memref<8x8x128xf32, #tpu.memory_space<vmem>>) target(%dma_start3A_148 : memref<8x8x128xf32, #tpu.memory_space<hbm>>) target_semaphore(%arg13 : memref<!tpu.dma_semaphore, #tpu.memory_space<semaphore_mem>>)
          %mul3A_149 = arith.constant 2 : i32
          %mul3A_150 = arith.muli %scan3A_125, %mul3A_149 : i32
          %add3A_151 = arith.constant 1 : i32
          %add3A_152 = arith.addi %mul3A_150, %add3A_151 : i32
          %mul3A_153 = arith.constant 20 : i32
          %mul3A_154 = arith.muli %add3A_67, %mul3A_153 : i32
          %add3A_155 = arith.addi %mul3A_154, %add3A_152 : i32
          %ge3A_156 = arith.constant 2 : i32
          %ge3A_157 = arith.cmpi sge, %add3A_155, %ge3A_156 : i32
          %convert_element_type3A_158 = arith.extui %ge3A_157 : i1 to i32
          %cond3A_159 = arith.constant 0 : i32
          %cond3A_160 = arith.cmpi ne, %convert_element_type3A_158, %cond3A_159 : i32
          scf.if %cond3A_160 {
            %dma_wait3A_174 = arith.constant 0 : i32
            %dma_wait3A_175 = arith.constant 0 : i32
            %dma_wait3A_176 = arith.constant 0 : i32
            %dma_wait3A_177 = tpu.memref_slice %arg5[%add3A_152, %add3A_70, %dma_wait3A_174, %dma_wait3A_175, %dma_wait3A_176] : memref<20x1250x8x8x128xf32, #tpu.memory_space<hbm>> -> memref<1x1x8x8x128xf32, #tpu.memory_space<hbm>>
            %dma_wait3A_178 = tpu.memref_squeeze %dma_wait3A_177 : memref<1x1x8x8x128xf32, #tpu.memory_space<hbm>> -> memref<8x8x128xf32, #tpu.memory_space<hbm>>
            %dma_wait3A_179 = arith.constant 0 : i32
            %dma_wait3A_180 = arith.constant 0 : i32
            %dma_wait3A_181 = arith.constant 0 : i32
            %dma_wait3A_182 = tpu.memref_slice %arg5[%add3A_152, %add3A_70, %dma_wait3A_179, %dma_wait3A_180, %dma_wait3A_181] : memref<20x1250x8x8x128xf32, #tpu.memory_space<hbm>> -> memref<1x1x8x8x128xf32, #tpu.memory_space<hbm>>
            %dma_wait3A_183 = tpu.memref_squeeze %dma_wait3A_182 : memref<1x1x8x8x128xf32, #tpu.memory_space<hbm>> -> memref<8x8x128xf32, #tpu.memory_space<hbm>>
            tpu.wait_dma2 semaphore(%arg14 : memref<!tpu.dma_semaphore, #tpu.memory_space<semaphore_mem>>) src(%arg12 : memref<8x8x128xf32, #tpu.memory_space<vmem>>) dst(%dma_wait3A_183 : memref<8x8x128xf32, #tpu.memory_space<hbm>>)
          } else {
          }
          %parallel_loop3A_161 = arith.constant 0 : i32
          %parallel_loop3A_162 = arith.constant 64 : i32
          %parallel_loop3A_163 = arith.constant 1 : i32
          scf.for %parallel_loop3A_174 = %parallel_loop3A_161 to %parallel_loop3A_162 step %parallel_loop3A_163  : i32 {
            %parallel_loop3A_175 = arith.constant 8 : i32
            %parallel_loop3A_176 = arith.divsi %parallel_loop3A_174, %parallel_loop3A_175 : i32
            %parallel_loop3A_177 = arith.constant 0 : i32
            %parallel_loop3A_178 = arith.cmpi sgt, %parallel_loop3A_174, %parallel_loop3A_177 : i32
            %parallel_loop3A_179 = arith.extui %parallel_loop3A_178 : i1 to i32
            %parallel_loop3A_180 = arith.constant 0 : i32
            %parallel_loop3A_181 = arith.cmpi slt, %parallel_loop3A_174, %parallel_loop3A_180 : i32
            %parallel_loop3A_182 = arith.extui %parallel_loop3A_181 : i1 to i32
            %parallel_loop3A_183 = arith.subi %parallel_loop3A_179, %parallel_loop3A_182 : i32
            %parallel_loop3A_184 = arith.constant 0 : i32
            %parallel_loop3A_185 = arith.cmpi sgt, %parallel_loop3A_175, %parallel_loop3A_184 : i32
            %parallel_loop3A_186 = arith.extui %parallel_loop3A_185 : i1 to i32
            %parallel_loop3A_187 = arith.constant 0 : i32
            %parallel_loop3A_188 = arith.cmpi slt, %parallel_loop3A_175, %parallel_loop3A_187 : i32
            %parallel_loop3A_189 = arith.extui %parallel_loop3A_188 : i1 to i32
            %parallel_loop3A_190 = arith.subi %parallel_loop3A_186, %parallel_loop3A_189 : i32
            %parallel_loop3A_191 = arith.cmpi ne, %parallel_loop3A_183, %parallel_loop3A_190 : i32
            %parallel_loop3A_192 = arith.remsi %parallel_loop3A_174, %parallel_loop3A_175 : i32
            %parallel_loop3A_193 = arith.constant 0 : i32
            %parallel_loop3A_194 = arith.cmpi ne, %parallel_loop3A_192, %parallel_loop3A_193 : i32
            %parallel_loop3A_195 = arith.andi %parallel_loop3A_191, %parallel_loop3A_194 : i1
            %parallel_loop3A_196 = arith.constant 1 : i32
            %parallel_loop3A_197 = arith.subi %parallel_loop3A_176, %parallel_loop3A_196 : i32
            %parallel_loop3A_198 = arith.select %parallel_loop3A_195, %parallel_loop3A_197, %parallel_loop3A_176 : i32
            %parallel_loop3A_199 = arith.constant 8 : i32
            %parallel_loop3A_200 = arith.constant 0 : i32
            %parallel_loop3A_201 = arith.cmpi eq, %parallel_loop3A_199, %parallel_loop3A_200 : i32
            %parallel_loop3A_202 = arith.constant 1 : i32
            %parallel_loop3A_203 = arith.select %parallel_loop3A_201, %parallel_loop3A_202, %parallel_loop3A_199 : i32
            %parallel_loop3A_204 = arith.remsi %parallel_loop3A_174, %parallel_loop3A_203 : i32
            %parallel_loop3A_205 = arith.constant 0 : i32
            %parallel_loop3A_206 = arith.cmpi ne, %parallel_loop3A_204, %parallel_loop3A_205 : i32
            %parallel_loop3A_207 = arith.constant 0 : i32
            %parallel_loop3A_208 = arith.cmpi slt, %parallel_loop3A_204, %parallel_loop3A_207 : i32
            %parallel_loop3A_209 = arith.constant 0 : i32
            %parallel_loop3A_210 = arith.cmpi slt, %parallel_loop3A_203, %parallel_loop3A_209 : i32
            %parallel_loop3A_211 = arith.xori %parallel_loop3A_208, %parallel_loop3A_210 : i1
            %parallel_loop3A_212 = arith.andi %parallel_loop3A_211, %parallel_loop3A_206 : i1
            %parallel_loop3A_213 = arith.addi %parallel_loop3A_204, %parallel_loop3A_203 : i32
            %parallel_loop3A_214 = arith.select %parallel_loop3A_212, %parallel_loop3A_213, %parallel_loop3A_204 : i32
            %parallel_loop3A_215 = arith.constant 16 : i32
            %parallel_loop3A_216 = arith.muli %parallel_loop3A_214, %parallel_loop3A_215 : i32
            %parallel_loop3A_217 = arith.constant 16 : i32
            %parallel_loop3A_218 = arith.muli %parallel_loop3A_174, %parallel_loop3A_217 : i32
            %parallel_loop3A_219 = arith.index_cast %add3A_152 : i32 to index
            %parallel_loop3A_220 = arith.index_cast %parallel_loop3A_218 : i32 to index
            %parallel_loop3A_221 = tpu.vector_load %arg6[%parallel_loop3A_219, %parallel_loop3A_220] {strides = array<i32>} : memref<20x1024xi32, #tpu.memory_space<vmem>>, vector<16xi32>,
            %parallel_loop3A_222 = arith.constant 4095 : i32
            %parallel_loop3A_223 = vector.broadcast %parallel_loop3A_222 : i32 to vector<16xi32>
            %parallel_loop3A_224 = arith.andi %parallel_loop3A_221, %parallel_loop3A_223 : vector<16xi32>
            %parallel_loop3A_225 = arith.constant 16 : i32
            %parallel_loop3A_226 = vector.broadcast %parallel_loop3A_225 : i32 to vector<16xi32>
            %parallel_loop3A_227 = arith.shrui %parallel_loop3A_221, %parallel_loop3A_226 : vector<16xi32>
            %parallel_loop3A_228 = arith.constant 7 : i32
            %parallel_loop3A_229 = vector.broadcast %parallel_loop3A_228 : i32 to vector<16xi32>
            %parallel_loop3A_230 = arith.shrui %parallel_loop3A_224, %parallel_loop3A_229 : vector<16xi32>
            %parallel_loop3A_231 = arith.constant 127 : i32
            %parallel_loop3A_232 = vector.broadcast %parallel_loop3A_231 : i32 to vector<16xi32>
            %parallel_loop3A_233 = arith.andi %parallel_loop3A_224, %parallel_loop3A_232 : vector<16xi32>
            %parallel_loop3A_234 = arith.constant 7 : i32
            %parallel_loop3A_235 = vector.broadcast %parallel_loop3A_234 : i32 to vector<16xi32>
            %parallel_loop3A_236 = arith.shrui %parallel_loop3A_227, %parallel_loop3A_235 : vector<16xi32>
            %parallel_loop3A_237 = arith.constant 127 : i32
            %parallel_loop3A_238 = vector.broadcast %parallel_loop3A_237 : i32 to vector<16xi32>
            %parallel_loop3A_239 = arith.andi %parallel_loop3A_227, %parallel_loop3A_238 : vector<16xi32>
            %parallel_loop3A_240 = tpu.vector_load_idx %arg7[%parallel_loop3A_230, %broadcast_in_dim3A_1, %parallel_loop3A_233] : memref<32x8x128xf32, #tpu.memory_space<vmem>>[vector<16xi32>, vector<16xi32>, vector<16xi32>], vector<16xf32>,
            %parallel_loop3A_241 = tpu.vector_load_idx %arg7[%parallel_loop3A_230, %broadcast_in_dim3A_3, %parallel_loop3A_233] : memref<32x8x128xf32, #tpu.memory_space<vmem>>[vector<16xi32>, vector<16xi32>, vector<16xi32>], vector<16xf32>,
            %parallel_loop3A_242 = tpu.vector_load_idx %arg7[%parallel_loop3A_230, %broadcast_in_dim3A_5, %parallel_loop3A_233] : memref<32x8x128xf32, #tpu.memory_space<vmem>>[vector<16xi32>, vector<16xi32>, vector<16xi32>], vector<16xf32>,
            %parallel_loop3A_243 = tpu.vector_load_idx %arg7[%parallel_loop3A_230, %broadcast_in_dim3A_7, %parallel_loop3A_233] : memref<32x8x128xf32, #tpu.memory_space<vmem>>[vector<16xi32>, vector<16xi32>, vector<16xi32>], vector<16xf32>,
            %parallel_loop3A_244 = tpu.vector_load_idx %arg7[%parallel_loop3A_230, %broadcast_in_dim3A_9, %parallel_loop3A_233] : memref<32x8x128xf32, #tpu.memory_space<vmem>>[vector<16xi32>, vector<16xi32>, vector<16xi32>], vector<16xf32>,
            %parallel_loop3A_245 = tpu.vector_load_idx %arg7[%parallel_loop3A_230, %broadcast_in_dim3A_11, %parallel_loop3A_233] : memref<32x8x128xf32, #tpu.memory_space<vmem>>[vector<16xi32>, vector<16xi32>, vector<16xi32>], vector<16xf32>,
            %parallel_loop3A_246 = tpu.vector_load_idx %arg7[%parallel_loop3A_230, %broadcast_in_dim3A_13, %parallel_loop3A_233] : memref<32x8x128xf32, #tpu.memory_space<vmem>>[vector<16xi32>, vector<16xi32>, vector<16xi32>], vector<16xf32>,
            %parallel_loop3A_247 = tpu.vector_load_idx %arg7[%parallel_loop3A_230, %broadcast_in_dim3A_15, %parallel_loop3A_233] : memref<32x8x128xf32, #tpu.memory_space<vmem>>[vector<16xi32>, vector<16xi32>, vector<16xi32>], vector<16xf32>,
            %parallel_loop3A_248 = tpu.vector_load_idx %arg9[%parallel_loop3A_236, %broadcast_in_dim3A_1, %parallel_loop3A_239] : memref<8x8x128xf32, #tpu.memory_space<vmem>>[vector<16xi32>, vector<16xi32>, vector<16xi32>], vector<16xf32>,
            %parallel_loop3A_249 = tpu.vector_load_idx %arg9[%parallel_loop3A_236, %broadcast_in_dim3A_3, %parallel_loop3A_239] : memref<8x8x128xf32, #tpu.memory_space<vmem>>[vector<16xi32>, vector<16xi32>, vector<16xi32>], vector<16xf32>,
            %parallel_loop3A_250 = tpu.vector_load_idx %arg9[%parallel_loop3A_236, %broadcast_in_dim3A_5, %parallel_loop3A_239] : memref<8x8x128xf32, #tpu.memory_space<vmem>>[vector<16xi32>, vector<16xi32>, vector<16xi32>], vector<16xf32>,
            %parallel_loop3A_251 = tpu.vector_load_idx %arg9[%parallel_loop3A_236, %broadcast_in_dim3A_7, %parallel_loop3A_239] : memref<8x8x128xf32, #tpu.memory_space<vmem>>[vector<16xi32>, vector<16xi32>, vector<16xi32>], vector<16xf32>,
            %parallel_loop3A_252 = tpu.vector_load_idx %arg9[%parallel_loop3A_236, %broadcast_in_dim3A_9, %parallel_loop3A_239] : memref<8x8x128xf32, #tpu.memory_space<vmem>>[vector<16xi32>, vector<16xi32>, vector<16xi32>], vector<16xf32>,
            %parallel_loop3A_253 = tpu.vector_load_idx %arg9[%parallel_loop3A_236, %broadcast_in_dim3A_11, %parallel_loop3A_239] : memref<8x8x128xf32, #tpu.memory_space<vmem>>[vector<16xi32>, vector<16xi32>, vector<16xi32>], vector<16xf32>,
            %parallel_loop3A_254 = tpu.vector_load_idx %arg9[%parallel_loop3A_236, %broadcast_in_dim3A_13, %parallel_loop3A_239] : memref<8x8x128xf32, #tpu.memory_space<vmem>>[vector<16xi32>, vector<16xi32>, vector<16xi32>], vector<16xf32>,
            %parallel_loop3A_255 = tpu.vector_load_idx %arg9[%parallel_loop3A_236, %broadcast_in_dim3A_15, %parallel_loop3A_239] : memref<8x8x128xf32, #tpu.memory_space<vmem>>[vector<16xi32>, vector<16xi32>, vector<16xi32>], vector<16xf32>,
            %parallel_loop3A_256 = arith.mulf %parallel_loop3A_240, %parallel_loop3A_248 : vector<16xf32>
            %parallel_loop3A_257 = arith.constant 0 : i32
            %parallel_loop3A_258 = arith.index_cast %parallel_loop3A_198 : i32 to index
            %parallel_loop3A_259 = arith.index_cast %parallel_loop3A_257 : i32 to index
            %parallel_loop3A_260 = arith.index_cast %parallel_loop3A_216 : i32 to index
            %parallel_loop3A_261 = tpu.vector_load %arg12[%parallel_loop3A_258, %parallel_loop3A_259, %parallel_loop3A_260] {strides = array<i32>} : memref<8x8x128xf32, #tpu.memory_space<vmem>>, vector<16xf32>,
            tpu.vector_store %arg12[%parallel_loop3A_258, %parallel_loop3A_259, %parallel_loop3A_260], %parallel_loop3A_256 {strides = array<i32>} : memref<8x8x128xf32, #tpu.memory_space<vmem>>, vector<16xf32>,
            %parallel_loop3A_262 = arith.mulf %parallel_loop3A_241, %parallel_loop3A_249 : vector<16xf32>
            %parallel_loop3A_263 = arith.constant 1 : i32
            %parallel_loop3A_264 = arith.index_cast %parallel_loop3A_198 : i32 to index
            %parallel_loop3A_265 = arith.index_cast %parallel_loop3A_263 : i32 to index
            %parallel_loop3A_266 = arith.index_cast %parallel_loop3A_216 : i32 to index
            %parallel_loop3A_267 = tpu.vector_load %arg12[%parallel_loop3A_264, %parallel_loop3A_265, %parallel_loop3A_266] {strides = array<i32>} : memref<8x8x128xf32, #tpu.memory_space<vmem>>, vector<16xf32>,
            tpu.vector_store %arg12[%parallel_loop3A_264, %parallel_loop3A_265, %parallel_loop3A_266], %parallel_loop3A_262 {strides = array<i32>} : memref<8x8x128xf32, #tpu.memory_space<vmem>>, vector<16xf32>,
            %parallel_loop3A_268 = arith.mulf %parallel_loop3A_242, %parallel_loop3A_250 : vector<16xf32>
            %parallel_loop3A_269 = arith.constant 2 : i32
            %parallel_loop3A_270 = arith.index_cast %parallel_loop3A_198 : i32 to index
            %parallel_loop3A_271 = arith.index_cast %parallel_loop3A_269 : i32 to index
            %parallel_loop3A_272 = arith.index_cast %parallel_loop3A_216 : i32 to index
            %parallel_loop3A_273 = tpu.vector_load %arg12[%parallel_loop3A_270, %parallel_loop3A_271, %parallel_loop3A_272] {strides = array<i32>} : memref<8x8x128xf32, #tpu.memory_space<vmem>>, vector<16xf32>,
            tpu.vector_store %arg12[%parallel_loop3A_270, %parallel_loop3A_271, %parallel_loop3A_272], %parallel_loop3A_268 {strides = array<i32>} : memref<8x8x128xf32, #tpu.memory_space<vmem>>, vector<16xf32>,
            %parallel_loop3A_274 = arith.mulf %parallel_loop3A_243, %parallel_loop3A_251 : vector<16xf32>
            %parallel_loop3A_275 = arith.constant 3 : i32
            %parallel_loop3A_276 = arith.index_cast %parallel_loop3A_198 : i32 to index
            %parallel_loop3A_277 = arith.index_cast %parallel_loop3A_275 : i32 to index
            %parallel_loop3A_278 = arith.index_cast %parallel_loop3A_216 : i32 to index
            %parallel_loop3A_279 = tpu.vector_load %arg12[%parallel_loop3A_276, %parallel_loop3A_277, %parallel_loop3A_278] {strides = array<i32>} : memref<8x8x128xf32, #tpu.memory_space<vmem>>, vector<16xf32>,
            tpu.vector_store %arg12[%parallel_loop3A_276, %parallel_loop3A_277, %parallel_loop3A_278], %parallel_loop3A_274 {strides = array<i32>} : memref<8x8x128xf32, #tpu.memory_space<vmem>>, vector<16xf32>,
            %parallel_loop3A_280 = arith.mulf %parallel_loop3A_244, %parallel_loop3A_252 : vector<16xf32>
            %parallel_loop3A_281 = arith.constant 4 : i32
            %parallel_loop3A_282 = arith.index_cast %parallel_loop3A_198 : i32 to index
            %parallel_loop3A_283 = arith.index_cast %parallel_loop3A_281 : i32 to index
            %parallel_loop3A_284 = arith.index_cast %parallel_loop3A_216 : i32 to index
            %parallel_loop3A_285 = tpu.vector_load %arg12[%parallel_loop3A_282, %parallel_loop3A_283, %parallel_loop3A_284] {strides = array<i32>} : memref<8x8x128xf32, #tpu.memory_space<vmem>>, vector<16xf32>,
            tpu.vector_store %arg12[%parallel_loop3A_282, %parallel_loop3A_283, %parallel_loop3A_284], %parallel_loop3A_280 {strides = array<i32>} : memref<8x8x128xf32, #tpu.memory_space<vmem>>, vector<16xf32>,
            %parallel_loop3A_286 = arith.mulf %parallel_loop3A_245, %parallel_loop3A_253 : vector<16xf32>
            %parallel_loop3A_287 = arith.constant 5 : i32
            %parallel_loop3A_288 = arith.index_cast %parallel_loop3A_198 : i32 to index
            %parallel_loop3A_289 = arith.index_cast %parallel_loop3A_287 : i32 to index
            %parallel_loop3A_290 = arith.index_cast %parallel_loop3A_216 : i32 to index
            %parallel_loop3A_291 = tpu.vector_load %arg12[%parallel_loop3A_288, %parallel_loop3A_289, %parallel_loop3A_290] {strides = array<i32>} : memref<8x8x128xf32, #tpu.memory_space<vmem>>, vector<16xf32>,
            tpu.vector_store %arg12[%parallel_loop3A_288, %parallel_loop3A_289, %parallel_loop3A_290], %parallel_loop3A_286 {strides = array<i32>} : memref<8x8x128xf32, #tpu.memory_space<vmem>>, vector<16xf32>,
            %parallel_loop3A_292 = arith.mulf %parallel_loop3A_246, %parallel_loop3A_254 : vector<16xf32>
            %parallel_loop3A_293 = arith.constant 6 : i32
            %parallel_loop3A_294 = arith.index_cast %parallel_loop3A_198 : i32 to index
            %parallel_loop3A_295 = arith.index_cast %parallel_loop3A_293 : i32 to index
            %parallel_loop3A_296 = arith.index_cast %parallel_loop3A_216 : i32 to index
            %parallel_loop3A_297 = tpu.vector_load %arg12[%parallel_loop3A_294, %parallel_loop3A_295, %parallel_loop3A_296] {strides = array<i32>} : memref<8x8x128xf32, #tpu.memory_space<vmem>>, vector<16xf32>,
            tpu.vector_store %arg12[%parallel_loop3A_294, %parallel_loop3A_295, %parallel_loop3A_296], %parallel_loop3A_292 {strides = array<i32>} : memref<8x8x128xf32, #tpu.memory_space<vmem>>, vector<16xf32>,
            %parallel_loop3A_298 = arith.mulf %parallel_loop3A_247, %parallel_loop3A_255 : vector<16xf32>
            %parallel_loop3A_299 = arith.constant 7 : i32
            %parallel_loop3A_300 = arith.index_cast %parallel_loop3A_198 : i32 to index
            %parallel_loop3A_301 = arith.index_cast %parallel_loop3A_299 : i32 to index
            %parallel_loop3A_302 = arith.index_cast %parallel_loop3A_216 : i32 to index
            %parallel_loop3A_303 = tpu.vector_load %arg12[%parallel_loop3A_300, %parallel_loop3A_301, %parallel_loop3A_302] {strides = array<i32>} : memref<8x8x128xf32, #tpu.memory_space<vmem>>, vector<16xf32>,
            tpu.vector_store %arg12[%parallel_loop3A_300, %parallel_loop3A_301, %parallel_loop3A_302], %parallel_loop3A_298 {strides = array<i32>} : memref<8x8x128xf32, #tpu.memory_space<vmem>>, vector<16xf32>,
          } {sc.loop_unroll_factor = 2 : i64, sc.parallel_access}
          %dma_start3A_164 = arith.constant 0 : i32
          %dma_start3A_165 = arith.constant 0 : i32
          %dma_start3A_166 = arith.constant 0 : i32
          %dma_start3A_167 = tpu.memref_slice %arg5[%add3A_152, %add3A_70, %dma_start3A_164, %dma_start3A_165, %dma_start3A_166] : memref<20x1250x8x8x128xf32, #tpu.memory_space<hbm>> -> memref<1x1x8x8x128xf32, #tpu.memory_space<hbm>>
          %dma_start3A_168 = tpu.memref_squeeze %dma_start3A_167 : memref<1x1x8x8x128xf32, #tpu.memory_space<hbm>> -> memref<8x8x128xf32, #tpu.memory_space<hbm>>
          %dma_start3A_169 = arith.constant 0 : i32
          %dma_start3A_170 = arith.constant 0 : i32
          %dma_start3A_171 = arith.constant 0 : i32
          %dma_start3A_172 = tpu.memref_slice %arg5[%add3A_152, %add3A_70, %dma_start3A_169, %dma_start3A_170, %dma_start3A_171] : memref<20x1250x8x8x128xf32, #tpu.memory_space<hbm>> -> memref<1x1x8x8x128xf32, #tpu.memory_space<hbm>>
          %dma_start3A_173 = tpu.memref_squeeze %dma_start3A_172 : memref<1x1x8x8x128xf32, #tpu.memory_space<hbm>> -> memref<8x8x128xf32, #tpu.memory_space<hbm>>
          tpu.enqueue_dma source(%arg12 : memref<8x8x128xf32, #tpu.memory_space<vmem>>) target(%dma_start3A_173 : memref<8x8x128xf32, #tpu.memory_space<hbm>>) target_semaphore(%arg14 : memref<!tpu.dma_semaphore, #tpu.memory_space<semaphore_mem>>)
        }
        %scan3A_124 = arith.constant 10 : i32
      } else {
      }
      %mul3A_80 = arith.constant 2 : i32
      %mul3A_81 = arith.muli %scan3A_63, %mul3A_80 : i32
      %add3A_82 = arith.constant 1 : i32
      %add3A_83 = arith.addi %mul3A_81, %add3A_82 : i32
      %mul3A_84 = arith.constant 32 : i32
      %mul3A_85 = arith.muli %add3A_83, %mul3A_84 : i32
      %add3A_86 = arith.addi %mul3A_85, %add3A : i32
      %add3A_87 = arith.constant 32 : i32
      %add3A_88 = arith.addi %add3A_86, %add3A_87 : i32
      %lt3A_89 = arith.constant 1250 : i32
      %lt3A_90 = arith.cmpi slt, %add3A_88, %lt3A_89 : i32
      %convert_element_type3A_91 = arith.extui %lt3A_90 : i1 to i32
      %cond3A_92 = arith.constant 0 : i32
      %cond3A_93 = arith.cmpi ne, %convert_element_type3A_91, %cond3A_92 : i32
      scf.if %cond3A_93 {
        %add3A_99 = arith.constant 32 : i32
        %add3A_100 = arith.addi %add3A_86, %add3A_99 : i32
        %dma_start3A_101 = arith.constant 0 : i32
        %dma_start3A_102 = arith.constant 0 : i32
        %dma_start3A_103 = arith.constant 0 : i32
        %dma_start3A_104 = tpu.memref_slice %arg2[%add3A_100, %dma_start3A_101, %dma_start3A_102, %dma_start3A_103] : memref<1250x32x8x128xf32, #tpu.memory_space<hbm>> -> memref<1x32x8x128xf32, #tpu.memory_space<hbm>>
        %dma_start3A_105 = tpu.memref_squeeze %dma_start3A_104 : memref<1x32x8x128xf32, #tpu.memory_space<hbm>> -> memref<32x8x128xf32, #tpu.memory_space<hbm>>
        %dma_start3A_106 = arith.constant 0 : i32
        %dma_start3A_107 = arith.constant 0 : i32
        %dma_start3A_108 = arith.constant 0 : i32
        %dma_start3A_109 = tpu.memref_slice %arg2[%add3A_100, %dma_start3A_106, %dma_start3A_107, %dma_start3A_108] : memref<1250x32x8x128xf32, #tpu.memory_space<hbm>> -> memref<1x32x8x128xf32, #tpu.memory_space<hbm>>
        %dma_start3A_110 = tpu.memref_squeeze %dma_start3A_109 : memref<1x32x8x128xf32, #tpu.memory_space<hbm>> -> memref<32x8x128xf32, #tpu.memory_space<hbm>>
        tpu.enqueue_dma source(%dma_start3A_110 : memref<32x8x128xf32, #tpu.memory_space<hbm>>) target(%arg7 : memref<32x8x128xf32, #tpu.memory_space<vmem>>) target_semaphore(%arg15 : memref<!tpu.dma_semaphore, #tpu.memory_space<semaphore_mem>>)
        %dma_start3A_111 = arith.constant 0 : i32
        %dma_start3A_112 = arith.constant 0 : i32
        %dma_start3A_113 = arith.constant 0 : i32
        %dma_start3A_114 = tpu.memref_slice %arg3[%add3A_100, %dma_start3A_111, %dma_start3A_112, %dma_start3A_113] : memref<1264x8x8x128xf32, #tpu.memory_space<hbm>> -> memref<1x8x8x128xf32, #tpu.memory_space<hbm>>
        %dma_start3A_115 = tpu.memref_squeeze %dma_start3A_114 : memref<1x8x8x128xf32, #tpu.memory_space<hbm>> -> memref<8x8x128xf32, #tpu.memory_space<hbm>>
        %dma_start3A_116 = arith.constant 0 : i32
        %dma_start3A_117 = arith.constant 0 : i32
        %dma_start3A_118 = arith.constant 0 : i32
        %dma_start3A_119 = tpu.memref_slice %arg3[%add3A_100, %dma_start3A_116, %dma_start3A_117, %dma_start3A_118] : memref<1264x8x8x128xf32, #tpu.memory_space<hbm>> -> memref<1x8x8x128xf32, #tpu.memory_space<hbm>>
        %dma_start3A_120 = tpu.memref_squeeze %dma_start3A_119 : memref<1x8x8x128xf32, #tpu.memory_space<hbm>> -> memref<8x8x128xf32, #tpu.memory_space<hbm>>
        tpu.enqueue_dma source(%dma_start3A_120 : memref<8x8x128xf32, #tpu.memory_space<hbm>>) target(%arg9 : memref<8x8x128xf32, #tpu.memory_space<vmem>>) target_semaphore(%arg15 : memref<!tpu.dma_semaphore, #tpu.memory_space<semaphore_mem>>)
      } else {
      }
      %lt3A_94 = arith.constant 1250 : i32
      %lt3A_95 = arith.cmpi slt, %add3A_86, %lt3A_94 : i32
      %convert_element_type3A_96 = arith.extui %lt3A_95 : i1 to i32
      %cond3A_97 = arith.constant 0 : i32
      %cond3A_98 = arith.cmpi ne, %convert_element_type3A_96, %cond3A_97 : i32
      scf.if %cond3A_98 {
        %dma_wait3A_99 = arith.constant 0 : i32
        %dma_wait3A_100 = arith.constant 0 : i32
        %dma_wait3A_101 = arith.constant 0 : i32
        %dma_wait3A_102 = tpu.memref_slice %arg2[%add3A_86, %dma_wait3A_99, %dma_wait3A_100, %dma_wait3A_101] : memref<1250x32x8x128xf32, #tpu.memory_space<hbm>> -> memref<1x32x8x128xf32, #tpu.memory_space<hbm>>
        %dma_wait3A_103 = tpu.memref_squeeze %dma_wait3A_102 : memref<1x32x8x128xf32, #tpu.memory_space<hbm>> -> memref<32x8x128xf32, #tpu.memory_space<hbm>>
        %dma_wait3A_104 = arith.constant 0 : i32
        %dma_wait3A_105 = arith.constant 0 : i32
        %dma_wait3A_106 = arith.constant 0 : i32
        %dma_wait3A_107 = tpu.memref_slice %arg2[%add3A_86, %dma_wait3A_104, %dma_wait3A_105, %dma_wait3A_106] : memref<1250x32x8x128xf32, #tpu.memory_space<hbm>> -> memref<1x32x8x128xf32, #tpu.memory_space<hbm>>
        %dma_wait3A_108 = tpu.memref_squeeze %dma_wait3A_107 : memref<1x32x8x128xf32, #tpu.memory_space<hbm>> -> memref<32x8x128xf32, #tpu.memory_space<hbm>>
        tpu.wait_dma2 semaphore(%arg15 : memref<!tpu.dma_semaphore, #tpu.memory_space<semaphore_mem>>) src(%dma_wait3A_108 : memref<32x8x128xf32, #tpu.memory_space<hbm>>) dst(%arg8 : memref<32x8x128xf32, #tpu.memory_space<vmem>>)
        %dma_wait3A_109 = arith.constant 0 : i32
        %dma_wait3A_110 = arith.constant 0 : i32
        %dma_wait3A_111 = arith.constant 0 : i32
        %dma_wait3A_112 = tpu.memref_slice %arg3[%add3A_86, %dma_wait3A_109, %dma_wait3A_110, %dma_wait3A_111] : memref<1264x8x8x128xf32, #tpu.memory_space<hbm>> -> memref<1x8x8x128xf32, #tpu.memory_space<hbm>>
        %dma_wait3A_113 = tpu.memref_squeeze %dma_wait3A_112 : memref<1x8x8x128xf32, #tpu.memory_space<hbm>> -> memref<8x8x128xf32, #tpu.memory_space<hbm>>
        %dma_wait3A_114 = arith.constant 0 : i32
        %dma_wait3A_115 = arith.constant 0 : i32
        %dma_wait3A_116 = arith.constant 0 : i32
        %dma_wait3A_117 = tpu.memref_slice %arg3[%add3A_86, %dma_wait3A_114, %dma_wait3A_115, %dma_wait3A_116] : memref<1264x8x8x128xf32, #tpu.memory_space<hbm>> -> memref<1x8x8x128xf32, #tpu.memory_space<hbm>>
        %dma_wait3A_118 = tpu.memref_squeeze %dma_wait3A_117 : memref<1x8x8x128xf32, #tpu.memory_space<hbm>> -> memref<8x8x128xf32, #tpu.memory_space<hbm>>
        tpu.wait_dma2 semaphore(%arg15 : memref<!tpu.dma_semaphore, #tpu.memory_space<semaphore_mem>>) src(%dma_wait3A_118 : memref<8x8x128xf32, #tpu.memory_space<hbm>>) dst(%arg10 : memref<8x8x128xf32, #tpu.memory_space<vmem>>)
        %scan3A_119 = arith.constant 0 : i32
        %scan3A_120 = arith.constant 0 : i32
        %scan3A_121 = arith.constant 10 : i32
        %scan3A_122 = arith.addi %scan3A_120, %scan3A_121 : i32
        %scan3A_123 = arith.constant 1 : i32
        scf.for %scan3A_125 = %scan3A_120 to %scan3A_122 step %scan3A_123  : i32 {
          %mul3A_126 = arith.constant 2 : i32
          %mul3A_127 = arith.muli %scan3A_125, %mul3A_126 : i32
          %add3A_128 = arith.constant 0 : i32
          %add3A_129 = arith.addi %mul3A_127, %add3A_128 : i32
          %mul3A_130 = arith.constant 20 : i32
          %mul3A_131 = arith.muli %add3A_83, %mul3A_130 : i32
          %add3A_132 = arith.addi %mul3A_131, %add3A_129 : i32
          %ge3A = arith.constant 2 : i32
          %ge3A_133 = arith.cmpi sge, %add3A_132, %ge3A : i32
          %convert_element_type3A_134 = arith.extui %ge3A_133 : i1 to i32
          %cond3A_135 = arith.constant 0 : i32
          %cond3A_136 = arith.cmpi ne, %convert_element_type3A_134, %cond3A_135 : i32
          scf.if %cond3A_136 {
            %dma_wait3A_174 = arith.constant 0 : i32
            %dma_wait3A_175 = arith.constant 0 : i32
            %dma_wait3A_176 = arith.constant 0 : i32
            %dma_wait3A_177 = tpu.memref_slice %arg5[%add3A_129, %add3A_86, %dma_wait3A_174, %dma_wait3A_175, %dma_wait3A_176] : memref<20x1250x8x8x128xf32, #tpu.memory_space<hbm>> -> memref<1x1x8x8x128xf32, #tpu.memory_space<hbm>>
            %dma_wait3A_178 = tpu.memref_squeeze %dma_wait3A_177 : memref<1x1x8x8x128xf32, #tpu.memory_space<hbm>> -> memref<8x8x128xf32, #tpu.memory_space<hbm>>
            %dma_wait3A_179 = arith.constant 0 : i32
            %dma_wait3A_180 = arith.constant 0 : i32
            %dma_wait3A_181 = arith.constant 0 : i32
            %dma_wait3A_182 = tpu.memref_slice %arg5[%add3A_129, %add3A_86, %dma_wait3A_179, %dma_wait3A_180, %dma_wait3A_181] : memref<20x1250x8x8x128xf32, #tpu.memory_space<hbm>> -> memref<1x1x8x8x128xf32, #tpu.memory_space<hbm>>
            %dma_wait3A_183 = tpu.memref_squeeze %dma_wait3A_182 : memref<1x1x8x8x128xf32, #tpu.memory_space<hbm>> -> memref<8x8x128xf32, #tpu.memory_space<hbm>>
            tpu.wait_dma2 semaphore(%arg13 : memref<!tpu.dma_semaphore, #tpu.memory_space<semaphore_mem>>) src(%arg11 : memref<8x8x128xf32, #tpu.memory_space<vmem>>) dst(%dma_wait3A_183 : memref<8x8x128xf32, #tpu.memory_space<hbm>>)
          } else {
          }
          %parallel_loop3A = arith.constant 0 : i32
          %parallel_loop3A_137 = arith.constant 64 : i32
          %parallel_loop3A_138 = arith.constant 1 : i32
          scf.for %parallel_loop3A_174 = %parallel_loop3A to %parallel_loop3A_137 step %parallel_loop3A_138  : i32 {
            %parallel_loop3A_175 = arith.constant 8 : i32
            %parallel_loop3A_176 = arith.divsi %parallel_loop3A_174, %parallel_loop3A_175 : i32
            %parallel_loop3A_177 = arith.constant 0 : i32
            %parallel_loop3A_178 = arith.cmpi sgt, %parallel_loop3A_174, %parallel_loop3A_177 : i32
            %parallel_loop3A_179 = arith.extui %parallel_loop3A_178 : i1 to i32
            %parallel_loop3A_180 = arith.constant 0 : i32
            %parallel_loop3A_181 = arith.cmpi slt, %parallel_loop3A_174, %parallel_loop3A_180 : i32
            %parallel_loop3A_182 = arith.extui %parallel_loop3A_181 : i1 to i32
            %parallel_loop3A_183 = arith.subi %parallel_loop3A_179, %parallel_loop3A_182 : i32
            %parallel_loop3A_184 = arith.constant 0 : i32
            %parallel_loop3A_185 = arith.cmpi sgt, %parallel_loop3A_175, %parallel_loop3A_184 : i32
            %parallel_loop3A_186 = arith.extui %parallel_loop3A_185 : i1 to i32
            %parallel_loop3A_187 = arith.constant 0 : i32
            %parallel_loop3A_188 = arith.cmpi slt, %parallel_loop3A_175, %parallel_loop3A_187 : i32
            %parallel_loop3A_189 = arith.extui %parallel_loop3A_188 : i1 to i32
            %parallel_loop3A_190 = arith.subi %parallel_loop3A_186, %parallel_loop3A_189 : i32
            %parallel_loop3A_191 = arith.cmpi ne, %parallel_loop3A_183, %parallel_loop3A_190 : i32
            %parallel_loop3A_192 = arith.remsi %parallel_loop3A_174, %parallel_loop3A_175 : i32
            %parallel_loop3A_193 = arith.constant 0 : i32
            %parallel_loop3A_194 = arith.cmpi ne, %parallel_loop3A_192, %parallel_loop3A_193 : i32
            %parallel_loop3A_195 = arith.andi %parallel_loop3A_191, %parallel_loop3A_194 : i1
            %parallel_loop3A_196 = arith.constant 1 : i32
            %parallel_loop3A_197 = arith.subi %parallel_loop3A_176, %parallel_loop3A_196 : i32
            %parallel_loop3A_198 = arith.select %parallel_loop3A_195, %parallel_loop3A_197, %parallel_loop3A_176 : i32
            %parallel_loop3A_199 = arith.constant 8 : i32
            %parallel_loop3A_200 = arith.constant 0 : i32
            %parallel_loop3A_201 = arith.cmpi eq, %parallel_loop3A_199, %parallel_loop3A_200 : i32
            %parallel_loop3A_202 = arith.constant 1 : i32
            %parallel_loop3A_203 = arith.select %parallel_loop3A_201, %parallel_loop3A_202, %parallel_loop3A_199 : i32
            %parallel_loop3A_204 = arith.remsi %parallel_loop3A_174, %parallel_loop3A_203 : i32
            %parallel_loop3A_205 = arith.constant 0 : i32
            %parallel_loop3A_206 = arith.cmpi ne, %parallel_loop3A_204, %parallel_loop3A_205 : i32
            %parallel_loop3A_207 = arith.constant 0 : i32
            %parallel_loop3A_208 = arith.cmpi slt, %parallel_loop3A_204, %parallel_loop3A_207 : i32
            %parallel_loop3A_209 = arith.constant 0 : i32
            %parallel_loop3A_210 = arith.cmpi slt, %parallel_loop3A_203, %parallel_loop3A_209 : i32
            %parallel_loop3A_211 = arith.xori %parallel_loop3A_208, %parallel_loop3A_210 : i1
            %parallel_loop3A_212 = arith.andi %parallel_loop3A_211, %parallel_loop3A_206 : i1
            %parallel_loop3A_213 = arith.addi %parallel_loop3A_204, %parallel_loop3A_203 : i32
            %parallel_loop3A_214 = arith.select %parallel_loop3A_212, %parallel_loop3A_213, %parallel_loop3A_204 : i32
            %parallel_loop3A_215 = arith.constant 16 : i32
            %parallel_loop3A_216 = arith.muli %parallel_loop3A_214, %parallel_loop3A_215 : i32
            %parallel_loop3A_217 = arith.constant 16 : i32
            %parallel_loop3A_218 = arith.muli %parallel_loop3A_174, %parallel_loop3A_217 : i32
            %parallel_loop3A_219 = arith.index_cast %add3A_129 : i32 to index
            %parallel_loop3A_220 = arith.index_cast %parallel_loop3A_218 : i32 to index
            %parallel_loop3A_221 = tpu.vector_load %arg6[%parallel_loop3A_219, %parallel_loop3A_220] {strides = array<i32>} : memref<20x1024xi32, #tpu.memory_space<vmem>>, vector<16xi32>,
            %parallel_loop3A_222 = arith.constant 4095 : i32
            %parallel_loop3A_223 = vector.broadcast %parallel_loop3A_222 : i32 to vector<16xi32>
            %parallel_loop3A_224 = arith.andi %parallel_loop3A_221, %parallel_loop3A_223 : vector<16xi32>
            %parallel_loop3A_225 = arith.constant 16 : i32
            %parallel_loop3A_226 = vector.broadcast %parallel_loop3A_225 : i32 to vector<16xi32>
            %parallel_loop3A_227 = arith.shrui %parallel_loop3A_221, %parallel_loop3A_226 : vector<16xi32>
            %parallel_loop3A_228 = arith.constant 7 : i32
            %parallel_loop3A_229 = vector.broadcast %parallel_loop3A_228 : i32 to vector<16xi32>
            %parallel_loop3A_230 = arith.shrui %parallel_loop3A_224, %parallel_loop3A_229 : vector<16xi32>
            %parallel_loop3A_231 = arith.constant 127 : i32
            %parallel_loop3A_232 = vector.broadcast %parallel_loop3A_231 : i32 to vector<16xi32>
            %parallel_loop3A_233 = arith.andi %parallel_loop3A_224, %parallel_loop3A_232 : vector<16xi32>
            %parallel_loop3A_234 = arith.constant 7 : i32
            %parallel_loop3A_235 = vector.broadcast %parallel_loop3A_234 : i32 to vector<16xi32>
            %parallel_loop3A_236 = arith.shrui %parallel_loop3A_227, %parallel_loop3A_235 : vector<16xi32>
            %parallel_loop3A_237 = arith.constant 127 : i32
            %parallel_loop3A_238 = vector.broadcast %parallel_loop3A_237 : i32 to vector<16xi32>
            %parallel_loop3A_239 = arith.andi %parallel_loop3A_227, %parallel_loop3A_238 : vector<16xi32>
            %parallel_loop3A_240 = tpu.vector_load_idx %arg8[%parallel_loop3A_230, %broadcast_in_dim3A_1, %parallel_loop3A_233] : memref<32x8x128xf32, #tpu.memory_space<vmem>>[vector<16xi32>, vector<16xi32>, vector<16xi32>], vector<16xf32>,
            %parallel_loop3A_241 = tpu.vector_load_idx %arg8[%parallel_loop3A_230, %broadcast_in_dim3A_3, %parallel_loop3A_233] : memref<32x8x128xf32, #tpu.memory_space<vmem>>[vector<16xi32>, vector<16xi32>, vector<16xi32>], vector<16xf32>,
            %parallel_loop3A_242 = tpu.vector_load_idx %arg8[%parallel_loop3A_230, %broadcast_in_dim3A_5, %parallel_loop3A_233] : memref<32x8x128xf32, #tpu.memory_space<vmem>>[vector<16xi32>, vector<16xi32>, vector<16xi32>], vector<16xf32>,
            %parallel_loop3A_243 = tpu.vector_load_idx %arg8[%parallel_loop3A_230, %broadcast_in_dim3A_7, %parallel_loop3A_233] : memref<32x8x128xf32, #tpu.memory_space<vmem>>[vector<16xi32>, vector<16xi32>, vector<16xi32>], vector<16xf32>,
            %parallel_loop3A_244 = tpu.vector_load_idx %arg8[%parallel_loop3A_230, %broadcast_in_dim3A_9, %parallel_loop3A_233] : memref<32x8x128xf32, #tpu.memory_space<vmem>>[vector<16xi32>, vector<16xi32>, vector<16xi32>], vector<16xf32>,
            %parallel_loop3A_245 = tpu.vector_load_idx %arg8[%parallel_loop3A_230, %broadcast_in_dim3A_11, %parallel_loop3A_233] : memref<32x8x128xf32, #tpu.memory_space<vmem>>[vector<16xi32>, vector<16xi32>, vector<16xi32>], vector<16xf32>,
            %parallel_loop3A_246 = tpu.vector_load_idx %arg8[%parallel_loop3A_230, %broadcast_in_dim3A_13, %parallel_loop3A_233] : memref<32x8x128xf32, #tpu.memory_space<vmem>>[vector<16xi32>, vector<16xi32>, vector<16xi32>], vector<16xf32>,
            %parallel_loop3A_247 = tpu.vector_load_idx %arg8[%parallel_loop3A_230, %broadcast_in_dim3A_15, %parallel_loop3A_233] : memref<32x8x128xf32, #tpu.memory_space<vmem>>[vector<16xi32>, vector<16xi32>, vector<16xi32>], vector<16xf32>,
            %parallel_loop3A_248 = tpu.vector_load_idx %arg10[%parallel_loop3A_236, %broadcast_in_dim3A_1, %parallel_loop3A_239] : memref<8x8x128xf32, #tpu.memory_space<vmem>>[vector<16xi32>, vector<16xi32>, vector<16xi32>], vector<16xf32>,
            %parallel_loop3A_249 = tpu.vector_load_idx %arg10[%parallel_loop3A_236, %broadcast_in_dim3A_3, %parallel_loop3A_239] : memref<8x8x128xf32, #tpu.memory_space<vmem>>[vector<16xi32>, vector<16xi32>, vector<16xi32>], vector<16xf32>,
            %parallel_loop3A_250 = tpu.vector_load_idx %arg10[%parallel_loop3A_236, %broadcast_in_dim3A_5, %parallel_loop3A_239] : memref<8x8x128xf32, #tpu.memory_space<vmem>>[vector<16xi32>, vector<16xi32>, vector<16xi32>], vector<16xf32>,
            %parallel_loop3A_251 = tpu.vector_load_idx %arg10[%parallel_loop3A_236, %broadcast_in_dim3A_7, %parallel_loop3A_239] : memref<8x8x128xf32, #tpu.memory_space<vmem>>[vector<16xi32>, vector<16xi32>, vector<16xi32>], vector<16xf32>,
            %parallel_loop3A_252 = tpu.vector_load_idx %arg10[%parallel_loop3A_236, %broadcast_in_dim3A_9, %parallel_loop3A_239] : memref<8x8x128xf32, #tpu.memory_space<vmem>>[vector<16xi32>, vector<16xi32>, vector<16xi32>], vector<16xf32>,
            %parallel_loop3A_253 = tpu.vector_load_idx %arg10[%parallel_loop3A_236, %broadcast_in_dim3A_11, %parallel_loop3A_239] : memref<8x8x128xf32, #tpu.memory_space<vmem>>[vector<16xi32>, vector<16xi32>, vector<16xi32>], vector<16xf32>,
            %parallel_loop3A_254 = tpu.vector_load_idx %arg10[%parallel_loop3A_236, %broadcast_in_dim3A_13, %parallel_loop3A_239] : memref<8x8x128xf32, #tpu.memory_space<vmem>>[vector<16xi32>, vector<16xi32>, vector<16xi32>], vector<16xf32>,
            %parallel_loop3A_255 = tpu.vector_load_idx %arg10[%parallel_loop3A_236, %broadcast_in_dim3A_15, %parallel_loop3A_239] : memref<8x8x128xf32, #tpu.memory_space<vmem>>[vector<16xi32>, vector<16xi32>, vector<16xi32>], vector<16xf32>,
            %parallel_loop3A_256 = arith.mulf %parallel_loop3A_240, %parallel_loop3A_248 : vector<16xf32>
            %parallel_loop3A_257 = arith.constant 0 : i32
            %parallel_loop3A_258 = arith.index_cast %parallel_loop3A_198 : i32 to index
            %parallel_loop3A_259 = arith.index_cast %parallel_loop3A_257 : i32 to index
            %parallel_loop3A_260 = arith.index_cast %parallel_loop3A_216 : i32 to index
            %parallel_loop3A_261 = tpu.vector_load %arg11[%parallel_loop3A_258, %parallel_loop3A_259, %parallel_loop3A_260] {strides = array<i32>} : memref<8x8x128xf32, #tpu.memory_space<vmem>>, vector<16xf32>,
            tpu.vector_store %arg11[%parallel_loop3A_258, %parallel_loop3A_259, %parallel_loop3A_260], %parallel_loop3A_256 {strides = array<i32>} : memref<8x8x128xf32, #tpu.memory_space<vmem>>, vector<16xf32>,
            %parallel_loop3A_262 = arith.mulf %parallel_loop3A_241, %parallel_loop3A_249 : vector<16xf32>
            %parallel_loop3A_263 = arith.constant 1 : i32
            %parallel_loop3A_264 = arith.index_cast %parallel_loop3A_198 : i32 to index
            %parallel_loop3A_265 = arith.index_cast %parallel_loop3A_263 : i32 to index
            %parallel_loop3A_266 = arith.index_cast %parallel_loop3A_216 : i32 to index
            %parallel_loop3A_267 = tpu.vector_load %arg11[%parallel_loop3A_264, %parallel_loop3A_265, %parallel_loop3A_266] {strides = array<i32>} : memref<8x8x128xf32, #tpu.memory_space<vmem>>, vector<16xf32>,
            tpu.vector_store %arg11[%parallel_loop3A_264, %parallel_loop3A_265, %parallel_loop3A_266], %parallel_loop3A_262 {strides = array<i32>} : memref<8x8x128xf32, #tpu.memory_space<vmem>>, vector<16xf32>,
            %parallel_loop3A_268 = arith.mulf %parallel_loop3A_242, %parallel_loop3A_250 : vector<16xf32>
            %parallel_loop3A_269 = arith.constant 2 : i32
            %parallel_loop3A_270 = arith.index_cast %parallel_loop3A_198 : i32 to index
            %parallel_loop3A_271 = arith.index_cast %parallel_loop3A_269 : i32 to index
            %parallel_loop3A_272 = arith.index_cast %parallel_loop3A_216 : i32 to index
            %parallel_loop3A_273 = tpu.vector_load %arg11[%parallel_loop3A_270, %parallel_loop3A_271, %parallel_loop3A_272] {strides = array<i32>} : memref<8x8x128xf32, #tpu.memory_space<vmem>>, vector<16xf32>,
            tpu.vector_store %arg11[%parallel_loop3A_270, %parallel_loop3A_271, %parallel_loop3A_272], %parallel_loop3A_268 {strides = array<i32>} : memref<8x8x128xf32, #tpu.memory_space<vmem>>, vector<16xf32>,
            %parallel_loop3A_274 = arith.mulf %parallel_loop3A_243, %parallel_loop3A_251 : vector<16xf32>
            %parallel_loop3A_275 = arith.constant 3 : i32
            %parallel_loop3A_276 = arith.index_cast %parallel_loop3A_198 : i32 to index
            %parallel_loop3A_277 = arith.index_cast %parallel_loop3A_275 : i32 to index
            %parallel_loop3A_278 = arith.index_cast %parallel_loop3A_216 : i32 to index
            %parallel_loop3A_279 = tpu.vector_load %arg11[%parallel_loop3A_276, %parallel_loop3A_277, %parallel_loop3A_278] {strides = array<i32>} : memref<8x8x128xf32, #tpu.memory_space<vmem>>, vector<16xf32>,
            tpu.vector_store %arg11[%parallel_loop3A_276, %parallel_loop3A_277, %parallel_loop3A_278], %parallel_loop3A_274 {strides = array<i32>} : memref<8x8x128xf32, #tpu.memory_space<vmem>>, vector<16xf32>,
            %parallel_loop3A_280 = arith.mulf %parallel_loop3A_244, %parallel_loop3A_252 : vector<16xf32>
            %parallel_loop3A_281 = arith.constant 4 : i32
            %parallel_loop3A_282 = arith.index_cast %parallel_loop3A_198 : i32 to index
            %parallel_loop3A_283 = arith.index_cast %parallel_loop3A_281 : i32 to index
            %parallel_loop3A_284 = arith.index_cast %parallel_loop3A_216 : i32 to index
            %parallel_loop3A_285 = tpu.vector_load %arg11[%parallel_loop3A_282, %parallel_loop3A_283, %parallel_loop3A_284] {strides = array<i32>} : memref<8x8x128xf32, #tpu.memory_space<vmem>>, vector<16xf32>,
            tpu.vector_store %arg11[%parallel_loop3A_282, %parallel_loop3A_283, %parallel_loop3A_284], %parallel_loop3A_280 {strides = array<i32>} : memref<8x8x128xf32, #tpu.memory_space<vmem>>, vector<16xf32>,
            %parallel_loop3A_286 = arith.mulf %parallel_loop3A_245, %parallel_loop3A_253 : vector<16xf32>
            %parallel_loop3A_287 = arith.constant 5 : i32
            %parallel_loop3A_288 = arith.index_cast %parallel_loop3A_198 : i32 to index
            %parallel_loop3A_289 = arith.index_cast %parallel_loop3A_287 : i32 to index
            %parallel_loop3A_290 = arith.index_cast %parallel_loop3A_216 : i32 to index
            %parallel_loop3A_291 = tpu.vector_load %arg11[%parallel_loop3A_288, %parallel_loop3A_289, %parallel_loop3A_290] {strides = array<i32>} : memref<8x8x128xf32, #tpu.memory_space<vmem>>, vector<16xf32>,
            tpu.vector_store %arg11[%parallel_loop3A_288, %parallel_loop3A_289, %parallel_loop3A_290], %parallel_loop3A_286 {strides = array<i32>} : memref<8x8x128xf32, #tpu.memory_space<vmem>>, vector<16xf32>,
            %parallel_loop3A_292 = arith.mulf %parallel_loop3A_246, %parallel_loop3A_254 : vector<16xf32>
            %parallel_loop3A_293 = arith.constant 6 : i32
            %parallel_loop3A_294 = arith.index_cast %parallel_loop3A_198 : i32 to index
            %parallel_loop3A_295 = arith.index_cast %parallel_loop3A_293 : i32 to index
            %parallel_loop3A_296 = arith.index_cast %parallel_loop3A_216 : i32 to index
            %parallel_loop3A_297 = tpu.vector_load %arg11[%parallel_loop3A_294, %parallel_loop3A_295, %parallel_loop3A_296] {strides = array<i32>} : memref<8x8x128xf32, #tpu.memory_space<vmem>>, vector<16xf32>,
            tpu.vector_store %arg11[%parallel_loop3A_294, %parallel_loop3A_295, %parallel_loop3A_296], %parallel_loop3A_292 {strides = array<i32>} : memref<8x8x128xf32, #tpu.memory_space<vmem>>, vector<16xf32>,
            %parallel_loop3A_298 = arith.mulf %parallel_loop3A_247, %parallel_loop3A_255 : vector<16xf32>
            %parallel_loop3A_299 = arith.constant 7 : i32
            %parallel_loop3A_300 = arith.index_cast %parallel_loop3A_198 : i32 to index
            %parallel_loop3A_301 = arith.index_cast %parallel_loop3A_299 : i32 to index
            %parallel_loop3A_302 = arith.index_cast %parallel_loop3A_216 : i32 to index
            %parallel_loop3A_303 = tpu.vector_load %arg11[%parallel_loop3A_300, %parallel_loop3A_301, %parallel_loop3A_302] {strides = array<i32>} : memref<8x8x128xf32, #tpu.memory_space<vmem>>, vector<16xf32>,
            tpu.vector_store %arg11[%parallel_loop3A_300, %parallel_loop3A_301, %parallel_loop3A_302], %parallel_loop3A_298 {strides = array<i32>} : memref<8x8x128xf32, #tpu.memory_space<vmem>>, vector<16xf32>,
          } {sc.loop_unroll_factor = 2 : i64, sc.parallel_access}
          %dma_start3A_139 = arith.constant 0 : i32
          %dma_start3A_140 = arith.constant 0 : i32
          %dma_start3A_141 = arith.constant 0 : i32
          %dma_start3A_142 = tpu.memref_slice %arg5[%add3A_129, %add3A_86, %dma_start3A_139, %dma_start3A_140, %dma_start3A_141] : memref<20x1250x8x8x128xf32, #tpu.memory_space<hbm>> -> memref<1x1x8x8x128xf32, #tpu.memory_space<hbm>>
          %dma_start3A_143 = tpu.memref_squeeze %dma_start3A_142 : memref<1x1x8x8x128xf32, #tpu.memory_space<hbm>> -> memref<8x8x128xf32, #tpu.memory_space<hbm>>
          %dma_start3A_144 = arith.constant 0 : i32
          %dma_start3A_145 = arith.constant 0 : i32
          %dma_start3A_146 = arith.constant 0 : i32
          %dma_start3A_147 = tpu.memref_slice %arg5[%add3A_129, %add3A_86, %dma_start3A_144, %dma_start3A_145, %dma_start3A_146] : memref<20x1250x8x8x128xf32, #tpu.memory_space<hbm>> -> memref<1x1x8x8x128xf32, #tpu.memory_space<hbm>>
          %dma_start3A_148 = tpu.memref_squeeze %dma_start3A_147 : memref<1x1x8x8x128xf32, #tpu.memory_space<hbm>> -> memref<8x8x128xf32, #tpu.memory_space<hbm>>
          tpu.enqueue_dma source(%arg11 : memref<8x8x128xf32, #tpu.memory_space<vmem>>) target(%dma_start3A_148 : memref<8x8x128xf32, #tpu.memory_space<hbm>>) target_semaphore(%arg13 : memref<!tpu.dma_semaphore, #tpu.memory_space<semaphore_mem>>)
          %mul3A_149 = arith.constant 2 : i32
          %mul3A_150 = arith.muli %scan3A_125, %mul3A_149 : i32
          %add3A_151 = arith.constant 1 : i32
          %add3A_152 = arith.addi %mul3A_150, %add3A_151 : i32
          %mul3A_153 = arith.constant 20 : i32
          %mul3A_154 = arith.muli %add3A_83, %mul3A_153 : i32
          %add3A_155 = arith.addi %mul3A_154, %add3A_152 : i32
          %ge3A_156 = arith.constant 2 : i32
          %ge3A_157 = arith.cmpi sge, %add3A_155, %ge3A_156 : i32
          %convert_element_type3A_158 = arith.extui %ge3A_157 : i1 to i32
          %cond3A_159 = arith.constant 0 : i32
          %cond3A_160 = arith.cmpi ne, %convert_element_type3A_158, %cond3A_159 : i32
          scf.if %cond3A_160 {
            %dma_wait3A_174 = arith.constant 0 : i32
            %dma_wait3A_175 = arith.constant 0 : i32
            %dma_wait3A_176 = arith.constant 0 : i32
            %dma_wait3A_177 = tpu.memref_slice %arg5[%add3A_152, %add3A_86, %dma_wait3A_174, %dma_wait3A_175, %dma_wait3A_176] : memref<20x1250x8x8x128xf32, #tpu.memory_space<hbm>> -> memref<1x1x8x8x128xf32, #tpu.memory_space<hbm>>
            %dma_wait3A_178 = tpu.memref_squeeze %dma_wait3A_177 : memref<1x1x8x8x128xf32, #tpu.memory_space<hbm>> -> memref<8x8x128xf32, #tpu.memory_space<hbm>>
            %dma_wait3A_179 = arith.constant 0 : i32
            %dma_wait3A_180 = arith.constant 0 : i32
            %dma_wait3A_181 = arith.constant 0 : i32
            %dma_wait3A_182 = tpu.memref_slice %arg5[%add3A_152, %add3A_86, %dma_wait3A_179, %dma_wait3A_180, %dma_wait3A_181] : memref<20x1250x8x8x128xf32, #tpu.memory_space<hbm>> -> memref<1x1x8x8x128xf32, #tpu.memory_space<hbm>>
            %dma_wait3A_183 = tpu.memref_squeeze %dma_wait3A_182 : memref<1x1x8x8x128xf32, #tpu.memory_space<hbm>> -> memref<8x8x128xf32, #tpu.memory_space<hbm>>
            tpu.wait_dma2 semaphore(%arg14 : memref<!tpu.dma_semaphore, #tpu.memory_space<semaphore_mem>>) src(%arg12 : memref<8x8x128xf32, #tpu.memory_space<vmem>>) dst(%dma_wait3A_183 : memref<8x8x128xf32, #tpu.memory_space<hbm>>)
          } else {
          }
          %parallel_loop3A_161 = arith.constant 0 : i32
          %parallel_loop3A_162 = arith.constant 64 : i32
          %parallel_loop3A_163 = arith.constant 1 : i32
          scf.for %parallel_loop3A_174 = %parallel_loop3A_161 to %parallel_loop3A_162 step %parallel_loop3A_163  : i32 {
            %parallel_loop3A_175 = arith.constant 8 : i32
            %parallel_loop3A_176 = arith.divsi %parallel_loop3A_174, %parallel_loop3A_175 : i32
            %parallel_loop3A_177 = arith.constant 0 : i32
            %parallel_loop3A_178 = arith.cmpi sgt, %parallel_loop3A_174, %parallel_loop3A_177 : i32
            %parallel_loop3A_179 = arith.extui %parallel_loop3A_178 : i1 to i32
            %parallel_loop3A_180 = arith.constant 0 : i32
            %parallel_loop3A_181 = arith.cmpi slt, %parallel_loop3A_174, %parallel_loop3A_180 : i32
            %parallel_loop3A_182 = arith.extui %parallel_loop3A_181 : i1 to i32
            %parallel_loop3A_183 = arith.subi %parallel_loop3A_179, %parallel_loop3A_182 : i32
            %parallel_loop3A_184 = arith.constant 0 : i32
            %parallel_loop3A_185 = arith.cmpi sgt, %parallel_loop3A_175, %parallel_loop3A_184 : i32
            %parallel_loop3A_186 = arith.extui %parallel_loop3A_185 : i1 to i32
            %parallel_loop3A_187 = arith.constant 0 : i32
            %parallel_loop3A_188 = arith.cmpi slt, %parallel_loop3A_175, %parallel_loop3A_187 : i32
            %parallel_loop3A_189 = arith.extui %parallel_loop3A_188 : i1 to i32
            %parallel_loop3A_190 = arith.subi %parallel_loop3A_186, %parallel_loop3A_189 : i32
            %parallel_loop3A_191 = arith.cmpi ne, %parallel_loop3A_183, %parallel_loop3A_190 : i32
            %parallel_loop3A_192 = arith.remsi %parallel_loop3A_174, %parallel_loop3A_175 : i32
            %parallel_loop3A_193 = arith.constant 0 : i32
            %parallel_loop3A_194 = arith.cmpi ne, %parallel_loop3A_192, %parallel_loop3A_193 : i32
            %parallel_loop3A_195 = arith.andi %parallel_loop3A_191, %parallel_loop3A_194 : i1
            %parallel_loop3A_196 = arith.constant 1 : i32
            %parallel_loop3A_197 = arith.subi %parallel_loop3A_176, %parallel_loop3A_196 : i32
            %parallel_loop3A_198 = arith.select %parallel_loop3A_195, %parallel_loop3A_197, %parallel_loop3A_176 : i32
            %parallel_loop3A_199 = arith.constant 8 : i32
            %parallel_loop3A_200 = arith.constant 0 : i32
            %parallel_loop3A_201 = arith.cmpi eq, %parallel_loop3A_199, %parallel_loop3A_200 : i32
            %parallel_loop3A_202 = arith.constant 1 : i32
            %parallel_loop3A_203 = arith.select %parallel_loop3A_201, %parallel_loop3A_202, %parallel_loop3A_199 : i32
            %parallel_loop3A_204 = arith.remsi %parallel_loop3A_174, %parallel_loop3A_203 : i32
            %parallel_loop3A_205 = arith.constant 0 : i32
            %parallel_loop3A_206 = arith.cmpi ne, %parallel_loop3A_204, %parallel_loop3A_205 : i32
            %parallel_loop3A_207 = arith.constant 0 : i32
            %parallel_loop3A_208 = arith.cmpi slt, %parallel_loop3A_204, %parallel_loop3A_207 : i32
            %parallel_loop3A_209 = arith.constant 0 : i32
            %parallel_loop3A_210 = arith.cmpi slt, %parallel_loop3A_203, %parallel_loop3A_209 : i32
            %parallel_loop3A_211 = arith.xori %parallel_loop3A_208, %parallel_loop3A_210 : i1
            %parallel_loop3A_212 = arith.andi %parallel_loop3A_211, %parallel_loop3A_206 : i1
            %parallel_loop3A_213 = arith.addi %parallel_loop3A_204, %parallel_loop3A_203 : i32
            %parallel_loop3A_214 = arith.select %parallel_loop3A_212, %parallel_loop3A_213, %parallel_loop3A_204 : i32
            %parallel_loop3A_215 = arith.constant 16 : i32
            %parallel_loop3A_216 = arith.muli %parallel_loop3A_214, %parallel_loop3A_215 : i32
            %parallel_loop3A_217 = arith.constant 16 : i32
            %parallel_loop3A_218 = arith.muli %parallel_loop3A_174, %parallel_loop3A_217 : i32
            %parallel_loop3A_219 = arith.index_cast %add3A_152 : i32 to index
            %parallel_loop3A_220 = arith.index_cast %parallel_loop3A_218 : i32 to index
            %parallel_loop3A_221 = tpu.vector_load %arg6[%parallel_loop3A_219, %parallel_loop3A_220] {strides = array<i32>} : memref<20x1024xi32, #tpu.memory_space<vmem>>, vector<16xi32>,
            %parallel_loop3A_222 = arith.constant 4095 : i32
            %parallel_loop3A_223 = vector.broadcast %parallel_loop3A_222 : i32 to vector<16xi32>
            %parallel_loop3A_224 = arith.andi %parallel_loop3A_221, %parallel_loop3A_223 : vector<16xi32>
            %parallel_loop3A_225 = arith.constant 16 : i32
            %parallel_loop3A_226 = vector.broadcast %parallel_loop3A_225 : i32 to vector<16xi32>
            %parallel_loop3A_227 = arith.shrui %parallel_loop3A_221, %parallel_loop3A_226 : vector<16xi32>
            %parallel_loop3A_228 = arith.constant 7 : i32
            %parallel_loop3A_229 = vector.broadcast %parallel_loop3A_228 : i32 to vector<16xi32>
            %parallel_loop3A_230 = arith.shrui %parallel_loop3A_224, %parallel_loop3A_229 : vector<16xi32>
            %parallel_loop3A_231 = arith.constant 127 : i32
            %parallel_loop3A_232 = vector.broadcast %parallel_loop3A_231 : i32 to vector<16xi32>
            %parallel_loop3A_233 = arith.andi %parallel_loop3A_224, %parallel_loop3A_232 : vector<16xi32>
            %parallel_loop3A_234 = arith.constant 7 : i32
            %parallel_loop3A_235 = vector.broadcast %parallel_loop3A_234 : i32 to vector<16xi32>
            %parallel_loop3A_236 = arith.shrui %parallel_loop3A_227, %parallel_loop3A_235 : vector<16xi32>
            %parallel_loop3A_237 = arith.constant 127 : i32
            %parallel_loop3A_238 = vector.broadcast %parallel_loop3A_237 : i32 to vector<16xi32>
            %parallel_loop3A_239 = arith.andi %parallel_loop3A_227, %parallel_loop3A_238 : vector<16xi32>
            %parallel_loop3A_240 = tpu.vector_load_idx %arg8[%parallel_loop3A_230, %broadcast_in_dim3A_1, %parallel_loop3A_233] : memref<32x8x128xf32, #tpu.memory_space<vmem>>[vector<16xi32>, vector<16xi32>, vector<16xi32>], vector<16xf32>,
            %parallel_loop3A_241 = tpu.vector_load_idx %arg8[%parallel_loop3A_230, %broadcast_in_dim3A_3, %parallel_loop3A_233] : memref<32x8x128xf32, #tpu.memory_space<vmem>>[vector<16xi32>, vector<16xi32>, vector<16xi32>], vector<16xf32>,
            %parallel_loop3A_242 = tpu.vector_load_idx %arg8[%parallel_loop3A_230, %broadcast_in_dim3A_5, %parallel_loop3A_233] : memref<32x8x128xf32, #tpu.memory_space<vmem>>[vector<16xi32>, vector<16xi32>, vector<16xi32>], vector<16xf32>,
            %parallel_loop3A_243 = tpu.vector_load_idx %arg8[%parallel_loop3A_230, %broadcast_in_dim3A_7, %parallel_loop3A_233] : memref<32x8x128xf32, #tpu.memory_space<vmem>>[vector<16xi32>, vector<16xi32>, vector<16xi32>], vector<16xf32>,
            %parallel_loop3A_244 = tpu.vector_load_idx %arg8[%parallel_loop3A_230, %broadcast_in_dim3A_9, %parallel_loop3A_233] : memref<32x8x128xf32, #tpu.memory_space<vmem>>[vector<16xi32>, vector<16xi32>, vector<16xi32>], vector<16xf32>,
            %parallel_loop3A_245 = tpu.vector_load_idx %arg8[%parallel_loop3A_230, %broadcast_in_dim3A_11, %parallel_loop3A_233] : memref<32x8x128xf32, #tpu.memory_space<vmem>>[vector<16xi32>, vector<16xi32>, vector<16xi32>], vector<16xf32>,
            %parallel_loop3A_246 = tpu.vector_load_idx %arg8[%parallel_loop3A_230, %broadcast_in_dim3A_13, %parallel_loop3A_233] : memref<32x8x128xf32, #tpu.memory_space<vmem>>[vector<16xi32>, vector<16xi32>, vector<16xi32>], vector<16xf32>,
            %parallel_loop3A_247 = tpu.vector_load_idx %arg8[%parallel_loop3A_230, %broadcast_in_dim3A_15, %parallel_loop3A_233] : memref<32x8x128xf32, #tpu.memory_space<vmem>>[vector<16xi32>, vector<16xi32>, vector<16xi32>], vector<16xf32>,
            %parallel_loop3A_248 = tpu.vector_load_idx %arg10[%parallel_loop3A_236, %broadcast_in_dim3A_1, %parallel_loop3A_239] : memref<8x8x128xf32, #tpu.memory_space<vmem>>[vector<16xi32>, vector<16xi32>, vector<16xi32>], vector<16xf32>,
            %parallel_loop3A_249 = tpu.vector_load_idx %arg10[%parallel_loop3A_236, %broadcast_in_dim3A_3, %parallel_loop3A_239] : memref<8x8x128xf32, #tpu.memory_space<vmem>>[vector<16xi32>, vector<16xi32>, vector<16xi32>], vector<16xf32>,
            %parallel_loop3A_250 = tpu.vector_load_idx %arg10[%parallel_loop3A_236, %broadcast_in_dim3A_5, %parallel_loop3A_239] : memref<8x8x128xf32, #tpu.memory_space<vmem>>[vector<16xi32>, vector<16xi32>, vector<16xi32>], vector<16xf32>,
            %parallel_loop3A_251 = tpu.vector_load_idx %arg10[%parallel_loop3A_236, %broadcast_in_dim3A_7, %parallel_loop3A_239] : memref<8x8x128xf32, #tpu.memory_space<vmem>>[vector<16xi32>, vector<16xi32>, vector<16xi32>], vector<16xf32>,
            %parallel_loop3A_252 = tpu.vector_load_idx %arg10[%parallel_loop3A_236, %broadcast_in_dim3A_9, %parallel_loop3A_239] : memref<8x8x128xf32, #tpu.memory_space<vmem>>[vector<16xi32>, vector<16xi32>, vector<16xi32>], vector<16xf32>,
            %parallel_loop3A_253 = tpu.vector_load_idx %arg10[%parallel_loop3A_236, %broadcast_in_dim3A_11, %parallel_loop3A_239] : memref<8x8x128xf32, #tpu.memory_space<vmem>>[vector<16xi32>, vector<16xi32>, vector<16xi32>], vector<16xf32>,
            %parallel_loop3A_254 = tpu.vector_load_idx %arg10[%parallel_loop3A_236, %broadcast_in_dim3A_13, %parallel_loop3A_239] : memref<8x8x128xf32, #tpu.memory_space<vmem>>[vector<16xi32>, vector<16xi32>, vector<16xi32>], vector<16xf32>,
            %parallel_loop3A_255 = tpu.vector_load_idx %arg10[%parallel_loop3A_236, %broadcast_in_dim3A_15, %parallel_loop3A_239] : memref<8x8x128xf32, #tpu.memory_space<vmem>>[vector<16xi32>, vector<16xi32>, vector<16xi32>], vector<16xf32>,
            %parallel_loop3A_256 = arith.mulf %parallel_loop3A_240, %parallel_loop3A_248 : vector<16xf32>
            %parallel_loop3A_257 = arith.constant 0 : i32
            %parallel_loop3A_258 = arith.index_cast %parallel_loop3A_198 : i32 to index
            %parallel_loop3A_259 = arith.index_cast %parallel_loop3A_257 : i32 to index
            %parallel_loop3A_260 = arith.index_cast %parallel_loop3A_216 : i32 to index
            %parallel_loop3A_261 = tpu.vector_load %arg12[%parallel_loop3A_258, %parallel_loop3A_259, %parallel_loop3A_260] {strides = array<i32>} : memref<8x8x128xf32, #tpu.memory_space<vmem>>, vector<16xf32>,
            tpu.vector_store %arg12[%parallel_loop3A_258, %parallel_loop3A_259, %parallel_loop3A_260], %parallel_loop3A_256 {strides = array<i32>} : memref<8x8x128xf32, #tpu.memory_space<vmem>>, vector<16xf32>,
            %parallel_loop3A_262 = arith.mulf %parallel_loop3A_241, %parallel_loop3A_249 : vector<16xf32>
            %parallel_loop3A_263 = arith.constant 1 : i32
            %parallel_loop3A_264 = arith.index_cast %parallel_loop3A_198 : i32 to index
            %parallel_loop3A_265 = arith.index_cast %parallel_loop3A_263 : i32 to index
            %parallel_loop3A_266 = arith.index_cast %parallel_loop3A_216 : i32 to index
            %parallel_loop3A_267 = tpu.vector_load %arg12[%parallel_loop3A_264, %parallel_loop3A_265, %parallel_loop3A_266] {strides = array<i32>} : memref<8x8x128xf32, #tpu.memory_space<vmem>>, vector<16xf32>,
            tpu.vector_store %arg12[%parallel_loop3A_264, %parallel_loop3A_265, %parallel_loop3A_266], %parallel_loop3A_262 {strides = array<i32>} : memref<8x8x128xf32, #tpu.memory_space<vmem>>, vector<16xf32>,
            %parallel_loop3A_268 = arith.mulf %parallel_loop3A_242, %parallel_loop3A_250 : vector<16xf32>
            %parallel_loop3A_269 = arith.constant 2 : i32
            %parallel_loop3A_270 = arith.index_cast %parallel_loop3A_198 : i32 to index
            %parallel_loop3A_271 = arith.index_cast %parallel_loop3A_269 : i32 to index
            %parallel_loop3A_272 = arith.index_cast %parallel_loop3A_216 : i32 to index
            %parallel_loop3A_273 = tpu.vector_load %arg12[%parallel_loop3A_270, %parallel_loop3A_271, %parallel_loop3A_272] {strides = array<i32>} : memref<8x8x128xf32, #tpu.memory_space<vmem>>, vector<16xf32>,
            tpu.vector_store %arg12[%parallel_loop3A_270, %parallel_loop3A_271, %parallel_loop3A_272], %parallel_loop3A_268 {strides = array<i32>} : memref<8x8x128xf32, #tpu.memory_space<vmem>>, vector<16xf32>,
            %parallel_loop3A_274 = arith.mulf %parallel_loop3A_243, %parallel_loop3A_251 : vector<16xf32>
            %parallel_loop3A_275 = arith.constant 3 : i32
            %parallel_loop3A_276 = arith.index_cast %parallel_loop3A_198 : i32 to index
            %parallel_loop3A_277 = arith.index_cast %parallel_loop3A_275 : i32 to index
            %parallel_loop3A_278 = arith.index_cast %parallel_loop3A_216 : i32 to index
            %parallel_loop3A_279 = tpu.vector_load %arg12[%parallel_loop3A_276, %parallel_loop3A_277, %parallel_loop3A_278] {strides = array<i32>} : memref<8x8x128xf32, #tpu.memory_space<vmem>>, vector<16xf32>,
            tpu.vector_store %arg12[%parallel_loop3A_276, %parallel_loop3A_277, %parallel_loop3A_278], %parallel_loop3A_274 {strides = array<i32>} : memref<8x8x128xf32, #tpu.memory_space<vmem>>, vector<16xf32>,
            %parallel_loop3A_280 = arith.mulf %parallel_loop3A_244, %parallel_loop3A_252 : vector<16xf32>
            %parallel_loop3A_281 = arith.constant 4 : i32
            %parallel_loop3A_282 = arith.index_cast %parallel_loop3A_198 : i32 to index
            %parallel_loop3A_283 = arith.index_cast %parallel_loop3A_281 : i32 to index
            %parallel_loop3A_284 = arith.index_cast %parallel_loop3A_216 : i32 to index
            %parallel_loop3A_285 = tpu.vector_load %arg12[%parallel_loop3A_282, %parallel_loop3A_283, %parallel_loop3A_284] {strides = array<i32>} : memref<8x8x128xf32, #tpu.memory_space<vmem>>, vector<16xf32>,
            tpu.vector_store %arg12[%parallel_loop3A_282, %parallel_loop3A_283, %parallel_loop3A_284], %parallel_loop3A_280 {strides = array<i32>} : memref<8x8x128xf32, #tpu.memory_space<vmem>>, vector<16xf32>,
            %parallel_loop3A_286 = arith.mulf %parallel_loop3A_245, %parallel_loop3A_253 : vector<16xf32>
            %parallel_loop3A_287 = arith.constant 5 : i32
            %parallel_loop3A_288 = arith.index_cast %parallel_loop3A_198 : i32 to index
            %parallel_loop3A_289 = arith.index_cast %parallel_loop3A_287 : i32 to index
            %parallel_loop3A_290 = arith.index_cast %parallel_loop3A_216 : i32 to index
            %parallel_loop3A_291 = tpu.vector_load %arg12[%parallel_loop3A_288, %parallel_loop3A_289, %parallel_loop3A_290] {strides = array<i32>} : memref<8x8x128xf32, #tpu.memory_space<vmem>>, vector<16xf32>,
            tpu.vector_store %arg12[%parallel_loop3A_288, %parallel_loop3A_289, %parallel_loop3A_290], %parallel_loop3A_286 {strides = array<i32>} : memref<8x8x128xf32, #tpu.memory_space<vmem>>, vector<16xf32>,
            %parallel_loop3A_292 = arith.mulf %parallel_loop3A_246, %parallel_loop3A_254 : vector<16xf32>
            %parallel_loop3A_293 = arith.constant 6 : i32
            %parallel_loop3A_294 = arith.index_cast %parallel_loop3A_198 : i32 to index
            %parallel_loop3A_295 = arith.index_cast %parallel_loop3A_293 : i32 to index
            %parallel_loop3A_296 = arith.index_cast %parallel_loop3A_216 : i32 to index
            %parallel_loop3A_297 = tpu.vector_load %arg12[%parallel_loop3A_294, %parallel_loop3A_295, %parallel_loop3A_296] {strides = array<i32>} : memref<8x8x128xf32, #tpu.memory_space<vmem>>, vector<16xf32>,
            tpu.vector_store %arg12[%parallel_loop3A_294, %parallel_loop3A_295, %parallel_loop3A_296], %parallel_loop3A_292 {strides = array<i32>} : memref<8x8x128xf32, #tpu.memory_space<vmem>>, vector<16xf32>,
            %parallel_loop3A_298 = arith.mulf %parallel_loop3A_247, %parallel_loop3A_255 : vector<16xf32>
            %parallel_loop3A_299 = arith.constant 7 : i32
            %parallel_loop3A_300 = arith.index_cast %parallel_loop3A_198 : i32 to index
            %parallel_loop3A_301 = arith.index_cast %parallel_loop3A_299 : i32 to index
            %parallel_loop3A_302 = arith.index_cast %parallel_loop3A_216 : i32 to index
            %parallel_loop3A_303 = tpu.vector_load %arg12[%parallel_loop3A_300, %parallel_loop3A_301, %parallel_loop3A_302] {strides = array<i32>} : memref<8x8x128xf32, #tpu.memory_space<vmem>>, vector<16xf32>,
            tpu.vector_store %arg12[%parallel_loop3A_300, %parallel_loop3A_301, %parallel_loop3A_302], %parallel_loop3A_298 {strides = array<i32>} : memref<8x8x128xf32, #tpu.memory_space<vmem>>, vector<16xf32>,
          } {sc.loop_unroll_factor = 2 : i64, sc.parallel_access}
          %dma_start3A_164 = arith.constant 0 : i32
          %dma_start3A_165 = arith.constant 0 : i32
          %dma_start3A_166 = arith.constant 0 : i32
          %dma_start3A_167 = tpu.memref_slice %arg5[%add3A_152, %add3A_86, %dma_start3A_164, %dma_start3A_165, %dma_start3A_166] : memref<20x1250x8x8x128xf32, #tpu.memory_space<hbm>> -> memref<1x1x8x8x128xf32, #tpu.memory_space<hbm>>
          %dma_start3A_168 = tpu.memref_squeeze %dma_start3A_167 : memref<1x1x8x8x128xf32, #tpu.memory_space<hbm>> -> memref<8x8x128xf32, #tpu.memory_space<hbm>>
          %dma_start3A_169 = arith.constant 0 : i32
          %dma_start3A_170 = arith.constant 0 : i32
          %dma_start3A_171 = arith.constant 0 : i32
          %dma_start3A_172 = tpu.memref_slice %arg5[%add3A_152, %add3A_86, %dma_start3A_169, %dma_start3A_170, %dma_start3A_171] : memref<20x1250x8x8x128xf32, #tpu.memory_space<hbm>> -> memref<1x1x8x8x128xf32, #tpu.memory_space<hbm>>
          %dma_start3A_173 = tpu.memref_squeeze %dma_start3A_172 : memref<1x1x8x8x128xf32, #tpu.memory_space<hbm>> -> memref<8x8x128xf32, #tpu.memory_space<hbm>>
          tpu.enqueue_dma source(%arg12 : memref<8x8x128xf32, #tpu.memory_space<vmem>>) target(%dma_start3A_173 : memref<8x8x128xf32, #tpu.memory_space<hbm>>) target_semaphore(%arg14 : memref<!tpu.dma_semaphore, #tpu.memory_space<semaphore_mem>>)
        }
        %scan3A_124 = arith.constant 10 : i32
      } else {
      }
    }
    %scan3A_39 = arith.constant 20 : i32
    %dma_wait3A = arith.constant 0 : i32
    %dma_wait3A_40 = arith.constant 0 : i32
    %dma_wait3A_41 = arith.constant 0 : i32
    %dma_wait3A_42 = arith.constant 0 : i32
    %dma_wait3A_43 = arith.constant 0 : i32
    %dma_wait3A_44 = tpu.memref_slice %arg5[%dma_wait3A, %dma_wait3A_40, %dma_wait3A_41, %dma_wait3A_42, %dma_wait3A_43] : memref<20x1250x8x8x128xf32, #tpu.memory_space<hbm>> -> memref<1x1x8x8x128xf32, #tpu.memory_space<hbm>>
    %dma_wait3A_45 = tpu.memref_squeeze %dma_wait3A_44 : memref<1x1x8x8x128xf32, #tpu.memory_space<hbm>> -> memref<8x8x128xf32, #tpu.memory_space<hbm>>
    %dma_wait3A_46 = arith.constant 0 : i32
    %dma_wait3A_47 = arith.constant 0 : i32
    %dma_wait3A_48 = arith.constant 0 : i32
    %dma_wait3A_49 = tpu.memref_slice %arg5[%dma_wait3A, %dma_wait3A_40, %dma_wait3A_46, %dma_wait3A_47, %dma_wait3A_48] : memref<20x1250x8x8x128xf32, #tpu.memory_space<hbm>> -> memref<1x1x8x8x128xf32, #tpu.memory_space<hbm>>
    %dma_wait3A_50 = tpu.memref_squeeze %dma_wait3A_49 : memref<1x1x8x8x128xf32, #tpu.memory_space<hbm>> -> memref<8x8x128xf32, #tpu.memory_space<hbm>>
    tpu.wait_dma2 semaphore(%arg13 : memref<!tpu.dma_semaphore, #tpu.memory_space<semaphore_mem>>) src(%arg11 : memref<8x8x128xf32, #tpu.memory_space<vmem>>) dst(%dma_wait3A_50 : memref<8x8x128xf32, #tpu.memory_space<hbm>>)
    %dma_wait3A_51 = arith.constant 0 : i32
    %dma_wait3A_52 = arith.constant 0 : i32
    %dma_wait3A_53 = arith.constant 0 : i32
    %dma_wait3A_54 = arith.constant 0 : i32
    %dma_wait3A_55 = arith.constant 0 : i32
    %dma_wait3A_56 = tpu.memref_slice %arg5[%dma_wait3A_51, %dma_wait3A_52, %dma_wait3A_53, %dma_wait3A_54, %dma_wait3A_55] : memref<20x1250x8x8x128xf32, #tpu.memory_space<hbm>> -> memref<1x1x8x8x128xf32, #tpu.memory_space<hbm>>
    %dma_wait3A_57 = tpu.memref_squeeze %dma_wait3A_56 : memref<1x1x8x8x128xf32, #tpu.memory_space<hbm>> -> memref<8x8x128xf32, #tpu.memory_space<hbm>>
    %dma_wait3A_58 = arith.constant 0 : i32
    %dma_wait3A_59 = arith.constant 0 : i32
    %dma_wait3A_60 = arith.constant 0 : i32
    %dma_wait3A_61 = tpu.memref_slice %arg5[%dma_wait3A_51, %dma_wait3A_52, %dma_wait3A_58, %dma_wait3A_59, %dma_wait3A_60] : memref<20x1250x8x8x128xf32, #tpu.memory_space<hbm>> -> memref<1x1x8x8x128xf32, #tpu.memory_space<hbm>>
    %dma_wait3A_62 = tpu.memref_squeeze %dma_wait3A_61 : memref<1x1x8x8x128xf32, #tpu.memory_space<hbm>> -> memref<8x8x128xf32, #tpu.memory_space<hbm>>
    tpu.wait_dma2 semaphore(%arg14 : memref<!tpu.dma_semaphore, #tpu.memory_space<semaphore_mem>>) src(%arg12 : memref<8x8x128xf32, #tpu.memory_space<vmem>>) dst(%dma_wait3A_62 : memref<8x8x128xf32, #tpu.memory_space<hbm>>)
    return
  }
}

module attributes {stable_mosaic.version = 14 : i64} {
  func.func @_sig_body(%arg0: i32, %arg1: memref<200x10000xf32, #tpu.memory_space<vmem>>, %arg2: memref<200x10112xf32, #tpu.memory_space<vmem>>) attributes {dimension_semantics = [#tpu.dimension_semantics<arbitrary>], iteration_bounds = array<i64: 5>, scalar_prefetch = 0 : i64, scratch_operands = 0 : i64, tpu.core_type = #tpu.core_type<tc>, window_params = [{transform_indices = @transform_0, window_bounds = array<i64: 200, 10000>}, {transform_indices = @transform_1, window_bounds = array<i64: 200, 10112>}]} {
    %get3A = arith.constant 0 : index
    %get3A_0 = arith.constant 0 : index
    %get3A_1 = vector.load %arg1[%get3A, %get3A_0] : memref<200x10000xf32, #tpu.memory_space<vmem>>, vector<200x10000xf32>
    %logistic3A = arith.negf %get3A_1 : vector<200x10000xf32>
    %logistic3A_2 = math.exp %logistic3A : vector<200x10000xf32>
    %logistic3A_3 = arith.constant 1.000000e+00 : f32
    %logistic3A_4 = vector.broadcast %logistic3A_3 : f32 to vector<200x10000xf32>
    %logistic3A_5 = arith.addf %logistic3A_4, %logistic3A_2 : vector<200x10000xf32>
    %logistic3A_6 = arith.divf %logistic3A_4, %logistic3A_5 : vector<200x10000xf32>
    %swap3A = arith.constant 0 : index
    %swap3A_7 = arith.constant 0 : index
    %swap3A_8 = vector.load %arg2[%swap3A, %swap3A_7] : memref<200x10112xf32, #tpu.memory_space<vmem>>, vector<200x10000xf32>
    tpu.vector_store %arg2[%swap3A, %swap3A_7], %logistic3A_6 {strides = array<i32>} : memref<200x10112xf32, #tpu.memory_space<vmem>>, vector<200x10000xf32>,
    %broadcast_in_dim3A = arith.constant 1.000000e+00 : f32
    %broadcast_in_dim3A_9 = vector.broadcast %broadcast_in_dim3A : f32 to vector<200x112xf32>
    %swap3A_10 = arith.constant 0 : index
    %swap3A_11 = arith.constant 10000 : index
    %swap3A_12 = vector.load %arg2[%swap3A_10, %swap3A_11] : memref<200x10112xf32, #tpu.memory_space<vmem>>, vector<200x112xf32>
    tpu.vector_store %arg2[%swap3A_10, %swap3A_11], %broadcast_in_dim3A_9 {strides = array<i32>} : memref<200x10112xf32, #tpu.memory_space<vmem>>, vector<200x112xf32>,
    return
  }
  func.func @transform_0(%arg0: i32) -> (i32, i32) {
    %c0_i32 = arith.constant 0 : i32
    %c0_i32_0 = arith.constant 0 : i32
    return %arg0, %c0_i32 : i32, i32
  }
  func.func @transform_1(%arg0: i32) -> (i32, i32) {
    %c0_i32 = arith.constant 0 : i32
    %c0_i32_0 = arith.constant 0 : i32
    return %arg0, %c0_i32 : i32, i32
  }
}

module attributes {stable_mosaic.version = 14 : i64} {
  func.func @_t_gate_body(%arg0: i32, %arg1: memref<1024x1024xf32, #tpu.memory_space<vmem>>, %arg2: memref<1024x1024xf32, #tpu.memory_space<vmem>>) attributes {dimension_semantics = [#tpu.dimension_semantics<arbitrary>], iteration_bounds = array<i64: 10>, scalar_prefetch = 0 : i64, scratch_operands = 0 : i64, tpu.core_type = #tpu.core_type<tc>, window_params = [{transform_indices = @transform_0, window_bounds = array<i64: 1024, 1024>}, {transform_indices = @transform_1, window_bounds = array<i64: 1024, 1024>}]} {
    %get3A = arith.constant 0 : index
    %get3A_0 = arith.constant 0 : index
    %get3A_1 = vector.load %arg1[%get3A, %get3A_0] : memref<1024x1024xf32, #tpu.memory_space<vmem>>, vector<1024x1024xf32>
    %transpose3A = tpu.transpose %get3A_1, [1, 0] : vector<1024x1024xf32> -> vector<1024x1024xf32>
    %swap3A = arith.constant 0 : index
    %swap3A_2 = arith.constant 0 : index
    %swap3A_3 = vector.load %arg2[%swap3A, %swap3A_2] : memref<1024x1024xf32, #tpu.memory_space<vmem>>, vector<1024x1024xf32>
    tpu.vector_store %arg2[%swap3A, %swap3A_2], %transpose3A {strides = array<i32>} : memref<1024x1024xf32, #tpu.memory_space<vmem>>, vector<1024x1024xf32>,
    return
  }
  func.func @transform_0(%arg0: i32) -> (i32, i32) {
    %c0_i32 = arith.constant 0 : i32
    %c0_i32_0 = arith.constant 0 : i32
    return %c0_i32, %arg0 : i32, i32
  }
  func.func @transform_1(%arg0: i32) -> (i32, i32) {
    %c0_i32 = arith.constant 0 : i32
    %c0_i32_0 = arith.constant 0 : i32
    return %arg0, %c0_i32 : i32, i32
  }
}

</mosaic_0001>

<sc_bundles>
// kernel: kernel.5.cloned.1.call-start
scs
__scs_entry_jumppad:
0x0: {  	(pc) =	sbr.rel $0x88, $3  }
0x1: {  	(tag) =	ssettag $0x0;
	lr =	simm.s32 $0x1  }
0x2: {  	[smem:$0x3F9D] =	sst lr;
	_ =	strace $0xD0000000  }
0x3: {  	_ = 	snop  }
0x4: {  	_ = 	snop  }
0x5: {  	_ = 	snop  }
0x6: {  	_ = 	snop  }
0x7: {  	_ = 	snop  }
__scs_overlays_trampoline_lowered:
0x8: {  	[smem:$0x3FAC] =	sst s0  }
0x9: {  	[smem:$0x3FAD] =	sst s1  }
0xa: {  	[smem:$0x3FAE] =	sst s2  }
0xb: {  	[smem:$0x3FAF] =	sst s3  }
0xc: {  	[smem:$0x3FB0] =	sst s4  }
0xd: {  	[smem:$0x3FB1] =	sst s5  }
0xe: {  	[smem:$0x3FB2] =	sst s6  }
0xf: {  	[smem:$0x3FB3] =	sst s7  }
0x10: {  	[smem:$0x3FB4] =	sst s8  }
0x11: {  	[smem:$0x3FB5] =	sst s9;
	s0 =	simm.s32 @!p0 $0x0  }
0x12: {  	s1 =	sld [smem:$0x3F9B];
	s0 =	simm.s32 @p0 $0x1  }
0x13: {  	[smem:$0x3FB6] =	sst s0;
	s0 =	simm.s32 @!p1 $0x0  }
0x14: {  	s2 =	sld [smem:$0x3F9A];
	s0 =	simm.s32 @p1 $0x1  }
0x15: {  	[smem:$0x3FB7] =	sst s0;
	s0 =	simm.s32 @!p2 $0x0  }
0x16: {  	s3 =	sld [smem:$0x3FDB];
	s0 =	simm.s32 @p2 $0x1  }
0x17: {  	s4 =	simm.s32 $0x1BF5;
	[smem:$0x3FB9] =	sst s0  }
0x18: {  	s0 =	sld [smem:$0x3F9C];
	_ =	swait.ge [sflag:s4], $0x0  }
0x19: {  	s7 =	sld [smem:$0x3F9D]  }
0x1a: {  	s8 =	sadd.s32 $0xFFFFE003, lr  }
0x1b: {  	s9 =	sadd.s32 $0xFFFFFEF7, lr;
	s5 =	simm.s32 $0xFFFFFFFF;
	p2 =	slt.u32 s8, $0xFFFFF086  }
0x1c: {  	p1 =	slt.u32 s9, $0xF7A;
	s5 =	simm.s32 @!p2 $0x0  }
0x1d: {  	s5 =	simm.s32 @p1 $0x1;
	p0 =	seq.s32 s7, s2  }
0x1e: {  	s7 =	smul.u32 @!p0 $0xF7A, s2;
	p2 =	seq.s32 @!p0 s5, $0x0  }
0x1f: {  	s9 =	smul.u32 $0xF7A, s1;
	s8 =	simm.s32 @!p0 $0x1BF5;
	p2 =	por !p2, p0  }
0x20: {  	[sflag:s8] =	ssyncset.s32 @!p0 $0xFFFFF086;
	s6 =	sadd.s32 @!p0 s3, s7;
	s7 =	simm.s32 @!p0 $0x108  }
0x21: {  	s3 =	sadd.s32 s3, s9;
	s6 =	sadd.s32 @!p0 $0x88, s6;
	s7 =	simm.s32 @p2 $0x1082  }
0x22: {  	[simem:s7], [sflag:s8] =	dma.local @!p0 [hbm:s6], $0xF7A  }
0x23: {  	s9 =	sor.u32 $0xD0000000, s2;
	s6 =	simm.s32 $0x108;
	_ =	swait.ge @!p0 [sflag:s8], $0x0  }
0x24: {  	s3 =	sadd.s32 $0x88, s3;
	s6 =	simm.s32 @!p1 $0x1082;
	[sflag:s4] =	ssyncset.s32 $0xFFFFF086  }
0x25: {  	[simem:s6], [sflag:s4] =	dma.local [hbm:s3], $0xF7A  }
0x26: {  	[smem:$0x3F9D] =	sst s1;
	(tag) =	ssettag s2;
	_ =	strace s9  }
0x27: {  	s1 =	sld [smem:$0x3FAD]  }
0x28: {  	s2 =	sld [smem:$0x3FAE]  }
0x29: {  	s4 =	sld [smem:$0x3FB0]  }
0x2a: {  	p0 =	seq.s32 s5, $0x0;
	s5 =	sld [smem:$0x3FB1]  }
0x2b: {  	s6 =	sld [smem:$0x3FB2]  }
0x2c: {  	s7 =	sld [smem:$0x3FB3]  }
0x2d: {  	s3 =	simm.s32 $0x108;
	s8 =	sld [smem:$0x3FB4]  }
0x2e: {  	s3 =	simm.s32 @!p0 $0x1082;
	s9 =	sld [smem:$0x3FB5]  }
0x2f: {  	lr =	sadd.s32 s0, s3;
	s0 =	sld [smem:$0x3FAC]  }
0x30: {  	s3 =	sld [smem:$0x3FAF]  }
0x31: {  	[smem:$0x3FB8] =	sst s10  }
0x32: {  	s10 =	sld [smem:$0x3FB6];
	_ =	sdelay $0x3  }
0x33: {  	p0 =	seq.s32 s10, $0x1;
	s10 =	sld [smem:$0x3FB8];
	_ =	sdelay $0x3  }
0x34: {  	[smem:$0x3FB8] =	sst s10  }
0x35: {  	s10 =	sld [smem:$0x3FB7];
	_ =	sdelay $0x3  }
0x36: {  	p1 =	seq.s32 s10, $0x1;
	s10 =	sld [smem:$0x3FB8];
	_ =	sdelay $0x3  }
0x37: {  	[smem:$0x3FB8] =	sst s10  }
0x38: {  	s10 =	sld [smem:$0x3FB9]  }
0x39: {  	_ = 	snop;
	(pc) =	sbr.ind lr, $3  }
0x3a: {  	_ = 	snop  }
0x3b: {  	_ = 	snop  }
0x3c: {  	p2 =	seq.s32 s10, $0x1;
	s10 =	sld [smem:$0x3FB8]  }
0x3d: {  	_ =	shalt  }
0x3e: {  	_ =	shalt  }
0x3f: {  	_ =	shalt  }
0x40: {  	_ =	shalt  }
0x41: {  	_ =	shalt  }
0x42: {  	_ =	shalt  }
0x43: {  	_ =	shalt  }
0x44: {  	_ =	shalt  }
0x45: {  	_ =	shalt  }
0x46: {  	_ =	shalt  }
0x47: {  	_ =	shalt  }
0x48: {  	_ =	shalt  }
0x49: {  	_ =	shalt  }
0x4a: {  	_ =	shalt  }
0x4b: {  	_ =	shalt  }
0x4c: {  	_ =	shalt  }
0x4d: {  	_ =	shalt  }
0x4e: {  	_ =	shalt  }
0x4f: {  	_ =	shalt  }
0x50: {  	_ =	shalt  }
0x51: {  	_ =	shalt  }
0x52: {  	_ =	shalt  }
0x53: {  	_ =	shalt  }
0x54: {  	_ =	shalt  }
0x55: {  	_ =	shalt  }
0x56: {  	_ =	shalt  }
0x57: {  	_ =	shalt  }
0x58: {  	_ =	shalt  }
0x59: {  	_ =	shalt  }
0x5a: {  	_ =	shalt  }
0x5b: {  	_ =	shalt  }
0x5c: {  	_ =	shalt  }
0x5d: {  	_ =	shalt  }
0x5e: {  	_ =	shalt  }
0x5f: {  	_ =	shalt  }
0x60: {  	_ =	shalt  }
0x61: {  	_ =	shalt  }
0x62: {  	_ =	shalt  }
0x63: {  	_ =	shalt  }
0x64: {  	_ =	shalt  }
0x65: {  	_ =	shalt  }
0x66: {  	_ =	shalt  }
0x67: {  	_ =	shalt  }
0x68: {  	_ =	shalt  }
0x69: {  	_ =	shalt  }
0x6a: {  	_ =	shalt  }
0x6b: {  	_ =	shalt  }
0x6c: {  	_ =	shalt  }
0x6d: {  	_ =	shalt  }
0x6e: {  	_ =	shalt  }
0x6f: {  	_ =	shalt  }
0x70: {  	_ =	shalt  }
0x71: {  	_ =	shalt  }
0x72: {  	_ =	shalt  }
0x73: {  	_ =	shalt  }
0x74: {  	_ =	shalt  }
0x75: {  	_ =	shalt  }
0x76: {  	_ =	shalt  }
0x77: {  	_ =	shalt  }
0x78: {  	_ =	shalt  }
0x79: {  	_ =	shalt  }
0x7a: {  	_ =	shalt  }
0x7b: {  	_ =	shalt  }
0x7c: {  	_ =	shalt  }
0x7d: {  	_ =	shalt  }
0x7e: {  	_ =	shalt  }
0x7f: {  	_ =	shalt  }
0x80: {  	_ =	shalt  }
0x81: {  	_ =	shalt  }
0x82: {  	_ =	shalt  }
0x83: {  	_ =	shalt  }
0x84: {  	_ =	shalt  }
0x85: {  	_ =	shalt  }
0x86: {  	_ =	shalt  }
0x87: {  	_ =	shalt  }
.Lfunc_end0:
.L_simem_size_0:
called_computation_lowered:
.L_overlay_start_0:
0x88: {  	s2 =	sld [smem:$0x3FD9]  }
0x89: {  	s3 =	sld [smem:$0x3FFE];
	_ =	sdelay $0x1  }
0x8a: {  	s1 =	srdreg.scid  }
0x8b: {  	s0 =	sand.u32 $0x1, s1  }
0x8c: {  	s17 =	sshll.u32 s0, $0xA;
	s2 =	sadd.s32 s3, s2  }
0x8d: {  	s2 =	sadd.s32 s2, s17  }
0x8e: {  	[smem:$0x3FC4] =	sst s2  }
0x8f: {  	_ = 	snop  }
0x90: {  	s2 =	sld [smem:$0x3FC9]  }
0x91: {  	s18 =	sld [smem:$0x3FD0];
	(tm) =	ssettm $0x1  }
0x92: {  	s4 =	sld [smem:$0x3FFB];
	_ =	sdelay $0x3  }
0x93: {  	_ =	strace s4  }
0x94: {  	s4 =	sld [smem:$0x3FFC];
	_ =	sdelay $0x3  }
0x95: {  	_ =	strace s4  }
0x96: {  	s4 =	sld [smem:$0x3FFD];
	_ =	sdelay $0x3  }
0x97: {  	_ =	strace s4  }
0x98: {  	_ =	strace $0x8FFFFFFF  }
0x99: {  	s19 =	sld [smem:$0x3FDB];
	_ =	sdelay $0x1  }
0x9a: {  	s5 =	simm.s32 $_scs_section_size  }
0x9b: {  	s6 =	simm.s32 $_size__tile_overlayer_lowered;
	s7 =	simm.s32 $_tile_overlayer_lowered  }
0x9c: {  	s22 =	simm.s32 $0x1BFF;
	s21 =	sshll.u32 s7, $0x1;
	s4 =	sadd.s32 s5, s19  }
0x9d: {  	s8 =	simm.s32 $0x0;
	s20 =	sshll.u32 s6, $0x1;
	s6 =	sadd.s32 s21, s4  }
0x9e: {  	[timem:s8], [sflag:s22] =	dma.local [hbm:s6], s20  }
0x9f: {  	_ =	swait.ge [sflag:s22], s20  }
0xa0: {  	s5 =	ssub.s32 $0x0, s20;
	[sflag:s22] =	ssyncset.done $0x0  }
0xa1: {  	[sflag:s22] =	ssyncadd.s32 s5;
	_ =	sdelay $0x1  }
0xa2: {  	s23 =	simm.s32 $0x1B8B  }
0xa3: {  	_ =	swait.ge [sflag:s23], $0x1  }
0xa4: {  	[sflag:s23] =	ssyncset.done $0x0  }
0xa5: {  	s25 =	simm.s32 $0x1B8E;
	s24 =	sld [smem:$0x3FFE];
	[sflag:s23] =	ssyncadd.s32 $0xFFFFFFFF  }
0xa6: {  	s26 =	simm.s32 $execute0_lowered;
	[smem:$0x3FD2] =	sst s25  }
0xa7: {  	s6 =	sshll.u32 s26, $0x1;
	_ =	strace $0x80000046;
	[dreg:$0x1] =	wrdreg $0xFFFFFFFF  }
0xa8: {  	s28 =	simm.s32 $_size_execute0_lowered;
	s4 =	sadd.s32 s4, s6;
	[dreg:$0x0] =	wrdreg $0x0  }
0xa9: {  	s6 =	sshll.u32 s28, $0x1;
	[dreg:$0x2] =	wrdreg s4  }
0xaa: {  	[dreg:$0x3] =	wrdreg s6  }
0xab: {  	[dreg:$0x4] =	wrdreg $0xC0  }
0xac: {  	_ =	task [dreg:s8], $0x5FFFF  }
0xad: {  	[dreg:$0x1] =	wrdreg $0xFFFFFFFF  }
0xae: {  	[dreg:$0x0] =	wrdreg $0x60  }
0xaf: {  	[dreg:$0x2] =	wrdreg s2  }
0xb0: {  	[dreg:$0x3] =	wrdreg s24  }
0xb1: {  	[dreg:$0x4] =	wrdreg s18  }
0xb2: {  	[dreg:$0x5] =	wrdreg $0x9  }
0xb3: {  	_ =	task.clear_ibuf [dreg:s8], $0x6FFFF;
	_ =	strace $0x90000046  }
0xb4: {  	s29 =	simm.s32 $0x9;
	_ =	strace $0x80000048  }
0xb5: {  	_ =	swait.ge [sflag:s29], $0x1  }
0xb6: {  	[sflag:s29] =	ssyncadd.s32 $0xFFFFFFFF  }
0xb7: {  	_ =	strace $0x90000048  }
0xb8: {  	_ =	sfence  }
0xb9: {  	s30 =	sld [smem:$0x0];
	_ =	sdelay $0x2  }
0xba: {  	s31 =	sshll.u32 s1, $0xD;
	s1 =	sshrl.u32 s1, $0x2  }
0xbb: {  	s3 =	sand.u32 $0x4000, s31;
	s1 =	sadd.s32 s1, s30  }
0xbc: {  	s0 =	sor.u32 s3, s0;
	s1 =	sshll.u32 s1, $0x11  }
0xbd: {  	s0 =	sor.u32 s1, s0  }
0xbe: {  	s0 =	sadd.s32 $0x8F2B, s0  }
0xbf: {  	[sflag:s0] =	ssyncadd.remote.s32 $0x1  }
0xc0: {  	_ =	sfence.sel $0xFFFF  }
0xc1: {  	[dreg:$0x0] =	wrdreg $0xFFFFFFFF;
	(pc) =	sbr.abs _section_cstart, $3  }
0xc2: {  	[dreg:$0x1] =	wrdreg $0xFFFFFFFF  }
0xc3: {  	_ =	task.clear_ibuf [dreg:s8], $0x2FFFF;
	_ =	strace $0x9FFFFFFF  }
0xc4: {  	(tm) =	ssettm $0x7FFFFFFF  }
0xc5: {  	_ =	shalt  }
tec
execute0_lowered:
.L_overlay_start_1:
0x0: {  	(tag) =	ssettag $0x1  }
0x1: {  	s7 =	rddreg [dreg:$0x0]  }
0x2: {  	s0 =	rddreg [dreg:$0x1]  }
0x3: {  	s2 =	rddreg [dreg:$0x2];
	s4 =	simm.s32 $0x0;
	s1 =	srdreg.scid  }
0x4: {  	s3 =	stileid.u32;
	s12 =	simm.s32 $0x5000;
	s13 =	simm.s32 $0x15000  }
0x5: {  	s14 =	simm.s32 $0x3;
	s15 =	simm.s32 $0x19000;
	s16 =	simm.s32 $0x1B000  }
0x6: {  	s17 =	simm.s32 $0x1;
	s18 =	simm.s32 $0xD000;
	s19 =	simm.s32 $0x17000  }
0x7: {  	[smem:$0x7FF] =	sst s4;
	s5 =	sadd.s32 $0xE00, s0;
	s1 =	sand.u32 $0x1, s1  }
0x8: {  	s3 =	sshll.u32 s3, $0x1;
	s0 =	sadd.s32 $0x400, s0;
	_ =	strace $0x80000047  }
0x9: {  	[dreg:$0x4] =	wrdreg s0;
	s26 =	ssub.s32 $0x2, s1;
	s6 =	sor.u32 s1, s3  }
.Ltmp0:
0xa: {  	s28 =	sshrl.u32 s26, $0x1;
	s3 =	sshll.u32 s6, $0xC;
	(pc) =	sbr.rel .LBB2_1-.Ltmp0, $4  }
0xb: {  	[dreg:$0x5] =	wrdreg s6;
	s6 =	sshll.u32 s6, $0xA;
	s30 =	sadd.s32 s7, s3  }
0xc: {  	s0 =	ssub.s32 s26, s28;
	s31 =	sadd.s32 s5, s6;
	[dreg:$0x6] =	wrdreg s30  }
0xd: {  	s20 =	simm.s32 $0x2;
	[dreg:$0x7] =	wrdreg s31;
	s0 =	smax.u32 s0, $0x1  }
0xe: {  	s29 =	simm.s32 $0x10;
	s1 =	simm.s32 $0x0;
	[dreg:$0x8] =	wrdreg s0  }
.LBB2_18:
0xf: {  	_ =	swait.ge [sflag:s17], $0x2000  }
0x10: {  	[sflag:s17] =	ssyncset.done $0x0  }
0x11: {  	[sflag:s17] =	ssyncadd.s32 $0xFFFFE000  }
0x12: {  	_ =	swait.ge [sflag:s20], $0x2000  }
0x13: {  	s1 =	rddreg [dreg:$0x9]  }
0x14: {  	s0 =	rddreg [dreg:$0x8];
	s1 =	sadd.s32 $0x1, s1  }
0x15: {  	p0 =	sne.s32 s1, s0  }
.Ltmp1:
0x16: {  	_ = 	snop;
	(pc) =	sbr.rel @!p0 .LBB2_19-.Ltmp1, $3  }
0x17: {  	_ =	sdelay $0x1  }
0x18: {  	[sflag:s20] =	ssyncset.done $0x0  }
0x19: {  	[sflag:s20] =	ssyncadd.s32 $0xFFFFE000  }
.LBB2_1:
0x1a: {  	[dreg:$0x9] =	wrdreg s1  }
0x1b: {  	s0 =	rddreg [dreg:$0x4];
	s28 =	simm.s32 $0x4  }
0x1c: {  	[tilespmem:s4], [sflag:$0x4] =	stream.linear.gather [hbm4b:s0+s4], $0x5000, $0x38;
	[tilespmem:$0x1D000] =	vst v63  }
0x1d: {  	_ =	swait.ge [sflag:s28], $0x5000  }
.Ltmp2:
0x1e: {  	[sflag:s28] =	ssyncset.done $0x0;
	(pc) =	sbr.rel .LBB2_2-.Ltmp2, $4  }
0x1f: {  	s30 =	rddreg [dreg:$0x6];
	[sflag:s28] =	ssyncadd.s32 $0xFFFFB000  }
0x20: {  	[tilespmem:s12], [sflag:$0x3] =	stream.linear.gather [hbm4b:s30+s4], $0x8000, $0x38;
	[tilespmem:$0x1D000] =	vst v63  }
0x21: {  	s22 =	simm.s32 $0x0;
	s31 =	rddreg [dreg:$0x7]  }
0x22: {  	[tilespmem:s13], [sflag:$0x3] =	stream.linear.gather [hbm4b:s31+s4], $0x2000, $0x38;
	[tilespmem:$0x1D000] =	vst v63  }
.LBB2_17:
0x23: {  	s22 =	sadd.s32 $0x1, s22  }
0x24: {  	p0 =	sne.s32 s22, $0x14  }
.Ltmp3:
0x25: {  	_ = 	snop;
	(pc) =	sbr.rel @!p0 .LBB2_18-.Ltmp3, $1  }
0x26: {  	_ =	sdelay $0x3  }
.LBB2_2:
0x27: {  	s0 =	sshll.u32 s22, $0x6;
	s1 =	rddreg [dreg:$0x5]  }
0x28: {  	s24 =	sor.u32 s1, s0  }
0x29: {  	s23 =	sor.u32 $0x20, s24  }
0x2a: {  	p0 =	sgt.u32 s23, $0x4E1  }
0x2b: {  	s1 =	rddreg [dreg:$0x0];
	s0 =	sshll.u32 @!p0 s23, $0xC  }
0x2c: {  	s3 =	simm.s32 @!p0 $0xD000;
	s0 =	sadd.s32 @!p0 s1, s0;
	s1 =	simm.s32 @!p0 $0x0  }
0x2d: {  	[tilespmem:s3], [sflag:$0x3] =	stream.linear.gather @!p0 [hbm4b:s0+s1], $0x8000, $0x38;
	[tilespmem:$0x1D000] =	vst v63  }
0x2e: {  	s0 =	sshll.u32 @!p0 s23, $0xA  }
0x2f: {  	s3 =	simm.s32 @!p0 $0x17000;
	s0 =	sadd.s32 @!p0 s5, s0  }
0x30: {  	[tilespmem:s3], [sflag:$0x3] =	stream.linear.gather @!p0 [hbm4b:s0+s1], $0x2000, $0x38;
	[tilespmem:$0x1D000] =	vst v63  }
0x31: {  	_ =	swait.ge [sflag:s14], $0x8000  }
0x32: {  	[sflag:s14] =	ssyncset.done $0x0  }
0x33: {  	[sflag:s14] =	ssyncadd.s32 $0xFFFF8000  }
0x34: {  	s25 =	smul.u32 $0x28, s22;
	s28 =	simm.s32 $0x0;
	_ =	swait.ge [sflag:s14], $0x2000  }
0x35: {  	s30 =	simm.s32 $0x410;
	s31 =	simm.s32 $0x10;
	[sflag:s14] =	ssyncset.done $0x0  }
0x36: {  	s26 =	sshll.u32 s24, $0xD;
	s0 =	simm.s32 $0x0;
	[sflag:s14] =	ssyncadd.s32 $0xFFFFE000  }
.LBB2_3:
0x37: {  	s1 =	sor.u32 s25, s0  }
0x38: {  	p1 =	seq.s32 s1, $0x0  }
0x39: {  	s1 =	simm.s32 @!p1 $0x1  }
0x3a: {  	_ =	swait.ge @!p1 [sflag:s1], $0x2000  }
0x3b: {  	[sflag:s1] =	ssyncset.done @!p1 $0x0  }
0x3c: {  	[sflag:s1] =	ssyncadd.s32 @!p1 $0xFFFFE000  }
0x3d: {  	v0 =	vld [tilespmem:s31+$0x0]  }
0x3e: {  	v6 =	vld [tilespmem:s31+$0xFFFFFFF0]  }
0x3f: {  	s11 =	sadd.s32 $0x20, s31  }
0x40: {  	v28 =	vld [tilespmem:s11+$0x0];
	_ =	sdelay $0x1  }
0x41: {  	v1 =	vshll.u32 v0, $0x3  }
0x42: {  	v2 =	vand.u32 $0x7F, v0;
	v13 =	vshrl.u32 v6, $0x10;
	v14 =	vshrl.u32 v6, $0xD  }
0x43: {  	v24 =	vshll.u32 v6, $0x3;
	v6 =	vand.u32 $0x7F, v6;
	v1 =	vand.u32 $0x7C00, v1  }
0x44: {  	v34 =	vshll.u32 v28, $0x3;
	v24 =	vand.u32 $0x7C00, v24;
	v1 =	vor.u32 v1, v2  }
0x45: {  	v35 =	vand.u32 $0x7F, v28;
	v34 =	vand.u32 $0x7C00, v34;
	v6 =	vor.u32 v24, v6  }
0x46: {  	v4 =	vshrl.u32 v0, $0x10;
	v34 =	vor.u32 v34, v35  }
0x47: {  	v0 =	vshrl.u32 v0, $0xD;
	v2 =	vor.u32 $0x80, v1;
	v3 =	vor.u32 $0x100, v1  }
0x48: {  	v30 =	vld [tilespmem:s11+$0xFFFFFFF0];
	v5 =	vor.u32 $0x180, v1;
	v7 =	vor.u32 $0x200, v1;
	v25 =	vor.u32 $0x80, v6  }
0x49: {  	v26 =	vor.u32 $0x100, v6;
	v27 =	vor.u32 $0x180, v6;
	v29 =	vor.u32 $0x200, v6;
	v9 =	vld.idx.msk [tilespmem:v1+s12+$0x0], $0xffff  }
0x4a: {  	v31 =	vor.u32 $0x280, v6;
	v32 =	vor.u32 $0x300, v6;
	v33 =	vor.u32 $0x380, v6;
	v6 =	vld.idx.msk [tilespmem:v6+s12+$0x0], $0xffff  }
0x4b: {  	v0 =	vand.u32 $0x7FC00, v0;
	v8 =	vand.u32 $0x78, v4;
	v10 =	vor.u32 $0x280, v1;
	v41 =	vld.idx.msk [tilespmem:v34+s12+$0x0], $0xffff  }
0x4c: {  	v4 =	vand.u32 $0x7, v4;
	v0 =	vor.u32 v8, v0;
	v8 =	vor.u32 $0x380, v1;
	v2 =	vld.idx.msk [tilespmem:v2+s12+$0x0], $0xffff  }
0x4d: {  	v0 =	vor.u32 v4, v0;
	v3 =	vld.idx.msk [tilespmem:v3+s12+$0x0], $0xffff  }
0x4e: {  	v5 =	vld.idx.msk [tilespmem:v5+s12+$0x0], $0xffff  }
0x4f: {  	v7 =	vld.idx.msk [tilespmem:v7+s12+$0x0], $0xffff  }
0x50: {  	v10 =	vld.idx.msk [tilespmem:v10+s12+$0x0], $0xffff  }
0x51: {  	v16 =	vand.u32 $0x78, v13;
	v14 =	vand.u32 $0x7FC00, v14;
	v8 =	vld.idx.msk [tilespmem:v8+s12+$0x0], $0xffff  }
0x52: {  	v14 =	vor.u32 v16, v14;
	v16 =	vld.idx.msk [tilespmem:v0+s13+$0x0], $0xffff  }
0x53: {  	v25 =	vld.idx.msk [tilespmem:v25+s12+$0x0], $0xffff  }
0x54: {  	v13 =	vand.u32 $0x7, v13;
	v26 =	vld.idx.msk [tilespmem:v26+s12+$0x0], $0xffff  }
0x55: {  	v13 =	vor.u32 v13, v14;
	v27 =	vld.idx.msk [tilespmem:v27+s12+$0x0], $0xffff  }
0x56: {  	v35 =	vor.u32 $0x80, v34;
	v29 =	vld.idx.msk [tilespmem:v29+s12+$0x0], $0xffff  }
0x57: {  	v36 =	vor.u32 $0x100, v34;
	v38 =	vor.u32 $0x180, v34;
	v31 =	vld.idx.msk [tilespmem:v31+s12+$0x0], $0xffff  }
0x58: {  	v39 =	vor.u32 $0x200, v34;
	v42 =	vor.u32 $0x280, v34;
	v14 =	vor.u32 $0x80, v13;
	v32 =	vld.idx.msk [tilespmem:v32+s12+$0x0], $0xffff  }
0x59: {  	v19 =	vor.u32 $0x100, v13;
	v20 =	vor.u32 $0x180, v13;
	v21 =	vor.u32 $0x200, v13;
	v33 =	vld.idx.msk [tilespmem:v33+s12+$0x0], $0xffff  }
0x5a: {  	v22 =	vor.u32 $0x280, v13;
	v23 =	vor.u32 $0x300, v13;
	v57 =	vor.u32 $0x380, v13;
	v13 =	vld.idx.msk [tilespmem:v13+s13+$0x0], $0xffff  }
0x5b: {  	v4 =	vor.u32 $0x380, v0;
	v35 =	vld.idx.msk [tilespmem:v35+s12+$0x0], $0xffff  }
0x5c: {  	v11 =	vor.u32 $0x80, v0;
	v36 =	vld.idx.msk [tilespmem:v36+s12+$0x0], $0xffff  }
0x5d: {  	v12 =	vor.u32 $0x100, v0;
	v38 =	vld.idx.msk [tilespmem:v38+s12+$0x0], $0xffff  }
0x5e: {  	v15 =	vor.u32 $0x180, v0;
	v59 =	vld.idx.msk [tilespmem:v39+s12+$0x0], $0xffff  }
0x5f: {  	v17 =	vor.u32 $0x200, v0;
	v60 =	vld.idx.msk [tilespmem:v42+s12+$0x0], $0xffff  }
0x60: {  	v18 =	vor.u32 $0x280, v0;
	v4 =	vld.idx.msk [tilespmem:v4+s13+$0x0], $0xffff  }
0x61: {  	v11 =	vld.idx.msk [tilespmem:v11+s13+$0x0], $0xffff  }
0x62: {  	v12 =	vld.idx.msk [tilespmem:v12+s13+$0x0], $0xffff  }
0x63: {  	v15 =	vld.idx.msk [tilespmem:v15+s13+$0x0], $0xffff  }
0x64: {  	v17 =	vld.idx.msk [tilespmem:v17+s13+$0x0], $0xffff  }
0x65: {  	v18 =	vld.idx.msk [tilespmem:v18+s13+$0x0], $0xffff  }
0x66: {  	v1 =	vor.u32 $0x300, v1;
	v14 =	vld.idx.msk [tilespmem:v14+s13+$0x0], $0xffff  }
0x67: {  	v37 =	vshrl.u32 v28, $0x10;
	v28 =	vshrl.u32 v28, $0xD;
	v0 =	vor.u32 $0x300, v0;
	v19 =	vld.idx.msk [tilespmem:v19+s13+$0x0], $0xffff  }
0x68: {  	v28 =	vand.u32 $0x7FC00, v28;
	v40 =	vand.u32 $0x78, v37;
	v20 =	vld.idx.msk [tilespmem:v20+s13+$0x0], $0xffff  }
0x69: {  	s9 =	sand.u32 $0x1C00, s28;
	v37 =	vand.u32 $0x7, v37;
	v28 =	vor.u32 v40, v28;
	v21 =	vld.idx.msk [tilespmem:v21+s13+$0x0], $0xffff  }
0x6a: {  	s3 =	sand.u32 $0x70, s29;
	s1 =	sadd.s32 $0x19000, s9;
	v58 =	vor.u32 $0x380, v34;
	v28 =	vor.u32 v37, v28;
	v22 =	vld.idx.msk [tilespmem:v22+s13+$0x0], $0xffff;
	v4 =	vmul.f32 v4, v8  }
0x6b: {  	s6 =	sor.u32 s3, s1;
	v37 =	vor.u32 $0x380, v28;
	v1 =	vld.idx.msk [tilespmem:v1+s12+$0x0], $0xffff;
	v2 =	vmul.f32 v11, v2  }
0x6c: {  	v0 =	vld.idx.msk [tilespmem:v0+s13+$0x0], $0xffff;
	v3 =	vmul.f32 v12, v3;
	[tilespmem:s6+$0x380] =	vst v4  }
0x6d: {  	v23 =	vld.idx.msk [tilespmem:v23+s13+$0x0], $0xffff;
	v8 =	vor.u32 $0x300, v34;
	v5 =	vmul.f32 v15, v5;
	[tilespmem:s6+$0x80] =	vst v2  }
0x6e: {  	v24 =	vld.idx.msk [tilespmem:v57+s13+$0x0], $0xffff;
	v7 =	vmul.f32 v17, v7;
	v11 =	vor.u32 $0x100, v28;
	v10 =	vmul.f32 v18, v10;
	[tilespmem:s6+$0x100] =	vst v3  }
0x6f: {  	v12 =	vshrl.u32 v30, $0xD;
	v15 =	vor.u32 $0x280, v28;
	v4 =	vor.u32 $0x80, v28;
	v2 =	vld.idx.msk [tilespmem:v58+s12+$0x0], $0xffff;
	[tilespmem:s6+$0x180] =	vst v5  }
0x70: {  	v12 =	vand.u32 $0x7FC00, v12;
	v3 =	vld.idx.msk [tilespmem:v37+s13+$0x0], $0xffff;
	v5 =	vshrl.u32 v30, $0x10;
	[tilespmem:s6+$0x280] =	vst v10;
	v10 =	vor.u32 $0x300, v28  }
0x71: {  	s10 =	simm.s32 $0x0;
	v17 =	vld.idx.msk [tilespmem:v28+s13+$0x0], $0xffff;
	[tilespmem:s6+$0x200] =	vst v7;
	v7 =	vand.u32 $0x78, v5;
	v0 =	vmul.f32 v0, v1;
	v1 =	vor.u32 $0x180, v28  }
0x72: {  	s3 =	sand.u32 $0x60, s10;
	v5 =	vand.u32 $0x7, v5;
	v7 =	vor.u32 v7, v12;
	v12 =	vmul.f32 v19, v26;
	v61 =	vld.idx.msk [tilespmem:v8+s12+$0x0], $0xffff  }
0x73: {  	s3 =	sor.u32 s3, s1;
	v9 =	vmul.f32 v16, v9;
	v8 =	vor.u32 $0x200, v28;
	[tilespmem:s6+$0x300] =	vst v0;
	v0 =	vor.u32 v5, v7;
	v7 =	vld.idx.msk [tilespmem:v11+s13+$0x0], $0xffff  }
0x74: {  	v5 =	vmul.f32 v14, v25;
	[tilespmem:s3+$0x100] =	vst v12;
	v12 =	vmul.f32 v23, v32;
	v4 =	vld.idx.msk [tilespmem:v4+s13+$0x0], $0xffff;
	v11 =	vor.u32 $0x80, v0  }
0x75: {  	[tilespmem:s6+$0x0] =	vst v9;
	s6 =	simm.s32 $0x100;
	v16 =	vor.u32 $0x100, v0;
	v2 =	vmul.f32 v3, v2;
	v3 =	vmul.f32 v21, v29;
	v21 =	vld.idx.msk [tilespmem:v10+s13+$0x0], $0xffff  }
0x76: {  	s8 =	simm.s32 $0x30;
	v9 =	vshll.u32 v30, $0x3;
	v17 =	vmul.f32 v17, v41;
	s21 =	sand.u32 $0x1C00, s6;
	v62 =	vor.u32 $0x280, v0;
	[tilespmem:s3+$0x80] =	vst v5;
	v18 =	vld.idx.msk [tilespmem:v1+s13+$0x0], $0xffff  }
0x77: {  	s9 =	sand.u32 $0x70, s8;
	v63 =	vor.u32 $0x300, v0;
	s1 =	sadd.s32 $0x19000, s21;
	[tilespmem:s3+$0x300] =	vst v12;
	v1 =	vand.u32 $0x7C00, v9;
	v9 =	vmul.f32 v20, v27;
	v20 =	vld.idx.msk [tilespmem:v15+s13+$0x0], $0xffff  }
0x78: {  	v10 =	vmul.f32 v22, v31;
	v5 =	vand.u32 $0x7F, v30;
	s21 =	sor.u32 s9, s1;
	[tilespmem:s3+$0x200] =	vst v3;
	v19 =	vld.idx.msk [tilespmem:v8+s13+$0x0], $0xffff;
	v8 =	vor.u32 $0x180, v0  }
0x79: {  	v14 =	vor.u32 $0x380, v0;
	v1 =	vor.u32 v1, v5;
	v5 =	vor.u32 $0x200, v0;
	[tilespmem:s21+$0x380] =	vst v2;
	v2 =	vld.idx.msk [tilespmem:v11+s13+$0x0], $0xffff  }
0x7a: {  	v22 =	vmul.f32 v24, v33;
	[tilespmem:s3+$0x180] =	vst v9;
	v9 =	vor.u32 $0x80, v1;
	v15 =	vor.u32 $0x100, v1;
	v3 =	vld.idx.msk [tilespmem:v16+s13+$0x0], $0xffff  }
0x7b: {  	[tilespmem:s3+$0x280] =	vst v10;
	v10 =	vor.u32 $0x200, v1;
	v16 =	vmul.f32 v13, v6;
	v13 =	vmul.f32 v4, v35;
	v6 =	vld.idx.msk [tilespmem:v62+s13+$0x0], $0xffff  }
0x7c: {  	s10 =	simm.s32 $0x20;
	[tilespmem:s3+$0x380] =	vst v22;
	v23 =	vmul.f32 v7, v36;
	v12 =	vor.u32 $0x300, v1;
	v11 =	vor.u32 $0x180, v1;
	v7 =	vld.idx.msk [tilespmem:v63+s13+$0x0], $0xffff  }
0x7d: {  	s11 =	sadd.s32 $0x20, s11;
	s7 =	sand.u32 $0x60, s10;
	v21 =	vmul.f32 v21, v61;
	v18 =	vmul.f32 v18, v38;
	[tilespmem:s21+$0x80] =	vst v13;
	v13 =	vor.u32 $0x380, v1;
	v4 =	vld.idx.msk [tilespmem:v8+s13+$0x0], $0xffff  }
0x7e: {  	s10 =	simm.s32 $0x2;
	s9 =	sshll.u32 s0, $0x1;
	s1 =	sor.u32 s7, s1;
	[tilespmem:s21+$0x100] =	vst v23;
	v20 =	vmul.f32 v20, v60;
	v8 =	vor.u32 $0x280, v1;
	v5 =	vld.idx.msk [tilespmem:v5+s13+$0x0], $0xffff;
	v19 =	vmul.f32 v19, v59  }
.LBB2_4:
0x7f: {  	v22 =	vld [tilespmem:s11+$0x0];
	[tilespmem:s21+$0x180] =	vst v18  }
0x80: {  	v18 =	vld [tilespmem:s11+$0xFFFFFFF0];
	[tilespmem:s21+$0x200] =	vst v19  }
0x81: {  	v19 =	vld.idx.msk [tilespmem:v14+s13+$0x0], $0xffff;
	[tilespmem:s21+$0x280] =	vst v20  }
0x82: {  	v20 =	vld.idx.msk [tilespmem:v9+s12+$0x0], $0xffff;
	[tilespmem:s21+$0x300] =	vst v21  }
0x83: {  	v21 =	vld.idx.msk [tilespmem:v15+s12+$0x0], $0xffff;
	[tilespmem:s3+$0x0] =	vst v16;
	s3 =	smov.u32 s1  }
0x84: {  	s10 =	sadd.s32 $0x2, s10;
	v9 =	vshll.u32 v22, $0x3;
	v16 =	vld.idx.msk [tilespmem:v11+s12+$0x0], $0xffff;
	[tilespmem:s21+$0x0] =	vst v17  }
0x85: {  	p1 =	slt.u32 s10, $0x3E;
	v14 =	vand.u32 $0x7F, v22;
	v11 =	vshrl.u32 v18, $0x10;
	v9 =	vand.u32 $0x7C00, v9;
	v17 =	vld.idx.msk [tilespmem:v10+s12+$0x0], $0xffff  }
0x86: {  	v10 =	vshrl.u32 v18, $0xD;
	v15 =	vand.u32 $0x78, v11;
	v9 =	vor.u32 v9, v14;
	v23 =	vld.idx.msk [tilespmem:v8+s12+$0x0], $0xffff  }
0x87: {  	v8 =	vshll.u32 v18, $0x3;
	v10 =	vand.u32 $0x7FC00, v10;
	v14 =	vor.u32 $0x80, v9;
	v24 =	vld.idx.msk [tilespmem:v12+s12+$0x0], $0xffff  }
0x88: {  	v8 =	vand.u32 $0x7C00, v8;
	v10 =	vor.u32 v15, v10;
	v12 =	vor.u32 $0x100, v9;
	v25 =	vld.idx.msk [tilespmem:v13+s12+$0x0], $0xffff  }
0x89: {  	v15 =	vor.u32 $0x180, v9;
	v13 =	vshrl.u32 v22, $0x10;
	v22 =	vshrl.u32 v22, $0xD;
	v26 =	vld.idx.msk [tilespmem:v0+s13+$0x0], $0xffff  }
0x8a: {  	v27 =	vor.u32 $0x200, v9;
	v0 =	vand.u32 $0x7FC00, v22;
	v22 =	vand.u32 $0x78, v13;
	v28 =	vld.idx.msk [tilespmem:v1+s12+$0x0], $0xffff  }
0x8b: {  	v30 =	vor.u32 $0x280, v9;
	v1 =	vand.u32 $0x7, v13;
	v0 =	vor.u32 v22, v0;
	v29 =	vld.idx.msk [tilespmem:v9+s12+$0x0], $0xffff  }
0x8c: {  	v11 =	vand.u32 $0x7, v11;
	v13 =	vor.u32 $0x380, v9;
	v31 =	vor.u32 v1, v0;
	v22 =	vld.idx.msk [tilespmem:v14+s12+$0x0], $0xffff  }
0x8d: {  	v1 =	vand.u32 $0x7F, v18;
	v0 =	vor.u32 v11, v10;
	v10 =	vor.u32 $0x380, v31;
	v18 =	vld.idx.msk [tilespmem:v12+s12+$0x0], $0xffff  }
0x8e: {  	v1 =	vor.u32 v8, v1;
	v32 =	vor.u32 $0x80, v0;
	v12 =	vor.u32 $0x300, v9;
	v33 =	vld.idx.msk [tilespmem:v15+s12+$0x0], $0xffff  }
0x8f: {  	v34 =	vor.u32 $0x100, v0;
	v35 =	vor.u32 $0x180, v0;
	v36 =	vor.u32 $0x200, v0;
	v27 =	vld.idx.msk [tilespmem:v27+s12+$0x0], $0xffff  }
0x90: {  	v37 =	vor.u32 $0x280, v0;
	v38 =	vor.u32 $0x300, v0;
	v39 =	vor.u32 $0x80, v31;
	v30 =	vld.idx.msk [tilespmem:v30+s12+$0x0], $0xffff  }
0x91: {  	v14 =	vor.u32 $0x380, v0;
	v41 =	vor.u32 $0x100, v31;
	v9 =	vor.u32 $0x80, v1;
	v40 =	vld.idx.msk [tilespmem:v13+s12+$0x0], $0xffff  }
0x92: {  	v42 =	vor.u32 $0x180, v31;
	v11 =	vor.u32 $0x180, v1;
	v15 =	vor.u32 $0x100, v1;
	v43 =	vld.idx.msk [tilespmem:v10+s13+$0x0], $0xffff  }
0x93: {  	v45 =	vor.u32 $0x200, v31;
	v8 =	vor.u32 $0x280, v1;
	v10 =	vor.u32 $0x200, v1;
	v44 =	vld.idx.msk [tilespmem:v12+s12+$0x0], $0xffff  }
0x94: {  	v47 =	vor.u32 $0x280, v31;
	v13 =	vor.u32 $0x380, v1;
	v12 =	vor.u32 $0x300, v1;
	v46 =	vld.idx.msk [tilespmem:v31+s13+$0x0], $0xffff  }
0x95: {  	v2 =	vmul.f32 v2, v20;
	v3 =	vmul.f32 v3, v21;
	v31 =	vor.u32 $0x300, v31;
	v39 =	vld.idx.msk [tilespmem:v39+s13+$0x0], $0xffff  }
0x96: {  	s6 =	sadd.s32 $0x100, s6;
	v4 =	vmul.f32 v4, v16;
	v5 =	vmul.f32 v5, v17;
	v20 =	vld.idx.msk [tilespmem:v41+s13+$0x0], $0xffff  }
0x97: {  	s8 =	sadd.s32 $0x20, s8;
	s1 =	sand.u32 $0x1C00, s6;
	v6 =	vmul.f32 v6, v23;
	v7 =	vmul.f32 v7, v24;
	v21 =	vld.idx.msk [tilespmem:v42+s13+$0x0], $0xffff;
	[tilespmem:s3+$0x80] =	vst v2  }
0x98: {  	s7 =	sadd.s32 $0xFFFFFFF0, s8;
	s1 =	sadd.s32 $0x19000, s1;
	s21 =	sand.u32 $0x70, s8;
	v24 =	vmul.f32 v19, v25;
	v2 =	vmul.f32 v43, v40;
	v23 =	vld.idx.msk [tilespmem:v45+s13+$0x0], $0xffff;
	[tilespmem:s3+$0x100] =	vst v3  }
0x99: {  	s7 =	sand.u32 $0x60, s7;
	s21 =	sor.u32 s21, s1;
	v16 =	vmul.f32 v26, v28;
	v25 =	vld.idx.msk [tilespmem:v47+s13+$0x0], $0xffff;
	[tilespmem:s3+$0x180] =	vst v4  }
0x9a: {  	s1 =	sor.u32 s7, s1;
	v17 =	vmul.f32 v46, v29;
	v26 =	vld.idx.msk [tilespmem:v31+s13+$0x0], $0xffff;
	[tilespmem:s21+$0x380] =	vst v2  }
0x9b: {  	v22 =	vmul.f32 v39, v22;
	v2 =	vld.idx.msk [tilespmem:v32+s13+$0x0], $0xffff;
	[tilespmem:s3+$0x200] =	vst v5  }
.Ltmp4:
0x9c: {  	v28 =	vmul.f32 v20, v18;
	v3 =	vld.idx.msk [tilespmem:v34+s13+$0x0], $0xffff;
	[tilespmem:s3+$0x280] =	vst v6;
	(pc) =	sbr.rel @p1 .LBB2_4-.Ltmp4, $4  }
0x9d: {  	v18 =	vmul.f32 v21, v33;
	v4 =	vld.idx.msk [tilespmem:v35+s13+$0x0], $0xffff;
	[tilespmem:s3+$0x300] =	vst v7  }
0x9e: {  	v19 =	vmul.f32 v23, v27;
	v5 =	vld.idx.msk [tilespmem:v36+s13+$0x0], $0xffff;
	[tilespmem:s3+$0x380] =	vst v24  }
0x9f: {  	v20 =	vmul.f32 v25, v30;
	v6 =	vld.idx.msk [tilespmem:v37+s13+$0x0], $0xffff;
	[tilespmem:s21+$0x80] =	vst v22  }
0xa0: {  	s11 =	sadd.s32 $0x20, s11;
	v21 =	vmul.f32 v26, v44;
	v7 =	vld.idx.msk [tilespmem:v38+s13+$0x0], $0xffff;
	[tilespmem:s21+$0x100] =	vst v28  }
0xa1: {  	_ =	sdelay $0x3  }
0xa2: {  	v14 =	vld.idx.msk [tilespmem:v14+s13+$0x0], $0xffff  }
0xa3: {  	v9 =	vld.idx.msk [tilespmem:v9+s12+$0x0], $0xffff  }
0xa4: {  	v15 =	vld.idx.msk [tilespmem:v15+s12+$0x0], $0xffff  }
0xa5: {  	v11 =	vld.idx.msk [tilespmem:v11+s12+$0x0], $0xffff;
	[tilespmem:s21+$0x180] =	vst v18  }
0xa6: {  	[tilespmem:s21+$0x200] =	vst v19;
	v0 =	vld.idx.msk [tilespmem:v0+s13+$0x0], $0xffff  }
0xa7: {  	[tilespmem:s21+$0x280] =	vst v20;
	v1 =	vld.idx.msk [tilespmem:v1+s12+$0x0], $0xffff  }
0xa8: {  	v10 =	vld.idx.msk [tilespmem:v10+s12+$0x0], $0xffff;
	[tilespmem:s3+$0x0] =	vst v16  }
0xa9: {  	v8 =	vld.idx.msk [tilespmem:v8+s12+$0x0], $0xffff;
	[tilespmem:s21+$0x0] =	vst v17;
	v2 =	vmul.f32 v2, v9  }
0xaa: {  	v12 =	vld.idx.msk [tilespmem:v12+s12+$0x0], $0xffff;
	[tilespmem:s21+$0x300] =	vst v21;
	v3 =	vmul.f32 v3, v15  }
0xab: {  	v13 =	vld.idx.msk [tilespmem:v13+s12+$0x0], $0xffff;
	s21 =	smul.u32 $0x1388000, s0;
	v4 =	vmul.f32 v4, v11;
	[tilespmem:s1+$0x80] =	vst v2  }
0xac: {  	v0 =	vmul.f32 v0, v1;
	[tilespmem:s1+$0x100] =	vst v3  }
0xad: {  	s3 =	sadd.s32 s26, s21;
	v2 =	vmul.f32 v5, v10;
	[tilespmem:s1+$0x180] =	vst v4  }
0xae: {  	s3 =	sshrl.u32 s3, $0x3;
	v3 =	vmul.f32 v6, v8;
	[tilespmem:s1+$0x0] =	vst v0  }
0xaf: {  	s6 =	sadd.s32 s2, s3;
	s3 =	sor.u32 $0x1, s9;
	v4 =	vmul.f32 v7, v12;
	[tilespmem:s1+$0x200] =	vst v2  }
0xb0: {  	s7 =	sadd.s32 s25, s3;
	v2 =	vmul.f32 v14, v13;
	[tilespmem:s1+$0x280] =	vst v3  }
0xb1: {  	p1 =	seq.s32 s7, $0x1;
	[tilespmem:s1+$0x300] =	vst v4  }
0xb2: {  	[tilespmem:s1+$0x380] =	vst v2;
	s1 =	simm.s32 @!p1 $0x2  }
0xb3: {  	[hbm4b:s6+s4] =	stream.linear.scatter [tilespmem:s15], [sflag:$0x1], $0x2000, $0x38;
	[tilespmem:$0x1D000] =	vst v63  }
0xb4: {  	_ =	swait.ge @!p1 [sflag:s1], $0x2000  }
0xb5: {  	[sflag:s1] =	ssyncset.done @!p1 $0x0  }
0xb6: {  	[sflag:s1] =	ssyncadd.s32 @!p1 $0xFFFFE000  }
0xb7: {  	v0 =	vld [tilespmem:s30+$0x0]  }
0xb8: {  	v6 =	vld [tilespmem:s30+$0xFFFFFFF0]  }
0xb9: {  	s11 =	sadd.s32 $0x20, s30  }
0xba: {  	v28 =	vld [tilespmem:s11+$0x0];
	_ =	sdelay $0x1  }
0xbb: {  	v1 =	vshll.u32 v0, $0x3  }
0xbc: {  	v2 =	vand.u32 $0x7F, v0;
	v13 =	vshrl.u32 v6, $0x10;
	v14 =	vshrl.u32 v6, $0xD  }
0xbd: {  	v24 =	vshll.u32 v6, $0x3;
	v6 =	vand.u32 $0x7F, v6;
	v1 =	vand.u32 $0x7C00, v1  }
0xbe: {  	v34 =	vshll.u32 v28, $0x3;
	v24 =	vand.u32 $0x7C00, v24;
	v1 =	vor.u32 v1, v2  }
0xbf: {  	v35 =	vand.u32 $0x7F, v28;
	v34 =	vand.u32 $0x7C00, v34;
	v6 =	vor.u32 v24, v6  }
0xc0: {  	v4 =	vshrl.u32 v0, $0x10;
	v34 =	vor.u32 v34, v35  }
0xc1: {  	v0 =	vshrl.u32 v0, $0xD;
	v2 =	vor.u32 $0x80, v1;
	v3 =	vor.u32 $0x100, v1  }
0xc2: {  	v30 =	vld [tilespmem:s11+$0xFFFFFFF0];
	v5 =	vor.u32 $0x180, v1;
	v7 =	vor.u32 $0x200, v1;
	v25 =	vor.u32 $0x80, v6  }
0xc3: {  	v26 =	vor.u32 $0x100, v6;
	v27 =	vor.u32 $0x180, v6;
	v29 =	vor.u32 $0x200, v6;
	v9 =	vld.idx.msk [tilespmem:v1+s12+$0x0], $0xffff  }
0xc4: {  	v31 =	vor.u32 $0x280, v6;
	v32 =	vor.u32 $0x300, v6;
	v33 =	vor.u32 $0x380, v6;
	v6 =	vld.idx.msk [tilespmem:v6+s12+$0x0], $0xffff  }
0xc5: {  	v0 =	vand.u32 $0x7FC00, v0;
	v8 =	vand.u32 $0x78, v4;
	v10 =	vor.u32 $0x280, v1;
	v41 =	vld.idx.msk [tilespmem:v34+s12+$0x0], $0xffff  }
0xc6: {  	v4 =	vand.u32 $0x7, v4;
	v0 =	vor.u32 v8, v0;
	v8 =	vor.u32 $0x380, v1;
	v2 =	vld.idx.msk [tilespmem:v2+s12+$0x0], $0xffff  }
0xc7: {  	v0 =	vor.u32 v4, v0;
	v3 =	vld.idx.msk [tilespmem:v3+s12+$0x0], $0xffff  }
0xc8: {  	v5 =	vld.idx.msk [tilespmem:v5+s12+$0x0], $0xffff  }
0xc9: {  	v7 =	vld.idx.msk [tilespmem:v7+s12+$0x0], $0xffff  }
0xca: {  	v10 =	vld.idx.msk [tilespmem:v10+s12+$0x0], $0xffff  }
0xcb: {  	v16 =	vand.u32 $0x78, v13;
	v14 =	vand.u32 $0x7FC00, v14;
	v8 =	vld.idx.msk [tilespmem:v8+s12+$0x0], $0xffff  }
0xcc: {  	v14 =	vor.u32 v16, v14;
	v16 =	vld.idx.msk [tilespmem:v0+s13+$0x0], $0xffff  }
0xcd: {  	v25 =	vld.idx.msk [tilespmem:v25+s12+$0x0], $0xffff  }
0xce: {  	v13 =	vand.u32 $0x7, v13;
	v26 =	vld.idx.msk [tilespmem:v26+s12+$0x0], $0xffff  }
0xcf: {  	v13 =	vor.u32 v13, v14;
	v27 =	vld.idx.msk [tilespmem:v27+s12+$0x0], $0xffff  }
0xd0: {  	v35 =	vor.u32 $0x80, v34;
	v29 =	vld.idx.msk [tilespmem:v29+s12+$0x0], $0xffff  }
0xd1: {  	v36 =	vor.u32 $0x100, v34;
	v38 =	vor.u32 $0x180, v34;
	v31 =	vld.idx.msk [tilespmem:v31+s12+$0x0], $0xffff  }
0xd2: {  	v39 =	vor.u32 $0x200, v34;
	v42 =	vor.u32 $0x280, v34;
	v14 =	vor.u32 $0x80, v13;
	v32 =	vld.idx.msk [tilespmem:v32+s12+$0x0], $0xffff  }
0xd3: {  	v19 =	vor.u32 $0x100, v13;
	v20 =	vor.u32 $0x180, v13;
	v21 =	vor.u32 $0x200, v13;
	v33 =	vld.idx.msk [tilespmem:v33+s12+$0x0], $0xffff  }
0xd4: {  	v22 =	vor.u32 $0x280, v13;
	v23 =	vor.u32 $0x300, v13;
	v57 =	vor.u32 $0x380, v13;
	v13 =	vld.idx.msk [tilespmem:v13+s13+$0x0], $0xffff  }
0xd5: {  	v4 =	vor.u32 $0x380, v0;
	v35 =	vld.idx.msk [tilespmem:v35+s12+$0x0], $0xffff  }
0xd6: {  	v11 =	vor.u32 $0x80, v0;
	v36 =	vld.idx.msk [tilespmem:v36+s12+$0x0], $0xffff  }
0xd7: {  	v12 =	vor.u32 $0x100, v0;
	v38 =	vld.idx.msk [tilespmem:v38+s12+$0x0], $0xffff  }
0xd8: {  	v15 =	vor.u32 $0x180, v0;
	v59 =	vld.idx.msk [tilespmem:v39+s12+$0x0], $0xffff  }
0xd9: {  	v17 =	vor.u32 $0x200, v0;
	v60 =	vld.idx.msk [tilespmem:v42+s12+$0x0], $0xffff  }
0xda: {  	v18 =	vor.u32 $0x280, v0;
	v4 =	vld.idx.msk [tilespmem:v4+s13+$0x0], $0xffff  }
0xdb: {  	v11 =	vld.idx.msk [tilespmem:v11+s13+$0x0], $0xffff  }
0xdc: {  	v12 =	vld.idx.msk [tilespmem:v12+s13+$0x0], $0xffff  }
0xdd: {  	v15 =	vld.idx.msk [tilespmem:v15+s13+$0x0], $0xffff  }
0xde: {  	v17 =	vld.idx.msk [tilespmem:v17+s13+$0x0], $0xffff  }
0xdf: {  	v18 =	vld.idx.msk [tilespmem:v18+s13+$0x0], $0xffff  }
0xe0: {  	v1 =	vor.u32 $0x300, v1;
	v14 =	vld.idx.msk [tilespmem:v14+s13+$0x0], $0xffff  }
0xe1: {  	v37 =	vshrl.u32 v28, $0x10;
	v28 =	vshrl.u32 v28, $0xD;
	v0 =	vor.u32 $0x300, v0;
	v19 =	vld.idx.msk [tilespmem:v19+s13+$0x0], $0xffff  }
0xe2: {  	s8 =	simm.s32 $0x0;
	v28 =	vand.u32 $0x7FC00, v28;
	v40 =	vand.u32 $0x78, v37;
	v20 =	vld.idx.msk [tilespmem:v20+s13+$0x0], $0xffff  }
0xe3: {  	s6 =	simm.s32 $0x10;
	s1 =	sand.u32 $0x1C00, s8;
	v37 =	vand.u32 $0x7, v37;
	v28 =	vor.u32 v40, v28;
	v21 =	vld.idx.msk [tilespmem:v21+s13+$0x0], $0xffff  }
0xe4: {  	s6 =	sand.u32 $0x70, s6;
	s1 =	sadd.s32 $0x1B000, s1;
	v58 =	vor.u32 $0x380, v34;
	v28 =	vor.u32 v37, v28;
	v22 =	vld.idx.msk [tilespmem:v22+s13+$0x0], $0xffff;
	v4 =	vmul.f32 v4, v8  }
0xe5: {  	s7 =	sor.u32 s6, s1;
	v37 =	vor.u32 $0x380, v28;
	v1 =	vld.idx.msk [tilespmem:v1+s12+$0x0], $0xffff;
	v2 =	vmul.f32 v11, v2  }
0xe6: {  	v0 =	vld.idx.msk [tilespmem:v0+s13+$0x0], $0xffff;
	v3 =	vmul.f32 v12, v3;
	[tilespmem:s7+$0x380] =	vst v4  }
0xe7: {  	v23 =	vld.idx.msk [tilespmem:v23+s13+$0x0], $0xffff;
	v8 =	vor.u32 $0x300, v34;
	v5 =	vmul.f32 v15, v5;
	[tilespmem:s7+$0x80] =	vst v2  }
0xe8: {  	v24 =	vld.idx.msk [tilespmem:v57+s13+$0x0], $0xffff;
	v7 =	vmul.f32 v17, v7;
	v11 =	vor.u32 $0x100, v28;
	v10 =	vmul.f32 v18, v10;
	[tilespmem:s7+$0x100] =	vst v3  }
0xe9: {  	v12 =	vshrl.u32 v30, $0xD;
	v15 =	vor.u32 $0x280, v28;
	v4 =	vor.u32 $0x80, v28;
	v2 =	vld.idx.msk [tilespmem:v58+s12+$0x0], $0xffff;
	[tilespmem:s7+$0x180] =	vst v5  }
0xea: {  	v12 =	vand.u32 $0x7FC00, v12;
	v3 =	vld.idx.msk [tilespmem:v37+s13+$0x0], $0xffff;
	v5 =	vshrl.u32 v30, $0x10;
	[tilespmem:s7+$0x280] =	vst v10;
	v10 =	vor.u32 $0x300, v28  }
0xeb: {  	s9 =	simm.s32 $0x0;
	v17 =	vld.idx.msk [tilespmem:v28+s13+$0x0], $0xffff;
	[tilespmem:s7+$0x200] =	vst v7;
	v7 =	vand.u32 $0x78, v5;
	v0 =	vmul.f32 v0, v1;
	v1 =	vor.u32 $0x180, v28  }
0xec: {  	s6 =	sand.u32 $0x60, s9;
	v5 =	vand.u32 $0x7, v5;
	v7 =	vor.u32 v7, v12;
	v12 =	vmul.f32 v19, v26;
	v61 =	vld.idx.msk [tilespmem:v8+s12+$0x0], $0xffff  }
0xed: {  	s6 =	sor.u32 s6, s1;
	v9 =	vmul.f32 v16, v9;
	v8 =	vor.u32 $0x200, v28;
	[tilespmem:s7+$0x300] =	vst v0;
	v0 =	vor.u32 v5, v7;
	v7 =	vld.idx.msk [tilespmem:v11+s13+$0x0], $0xffff  }
0xee: {  	v5 =	vmul.f32 v14, v25;
	[tilespmem:s6+$0x100] =	vst v12;
	v12 =	vmul.f32 v23, v32;
	v4 =	vld.idx.msk [tilespmem:v4+s13+$0x0], $0xffff;
	v11 =	vor.u32 $0x80, v0  }
0xef: {  	s8 =	simm.s32 $0x100;
	[tilespmem:s7+$0x0] =	vst v9;
	v16 =	vor.u32 $0x100, v0;
	v2 =	vmul.f32 v3, v2;
	v3 =	vmul.f32 v21, v29;
	v21 =	vld.idx.msk [tilespmem:v10+s13+$0x0], $0xffff  }
0xf0: {  	s10 =	sand.u32 $0x1C00, s8;
	s9 =	simm.s32 $0x30;
	v9 =	vshll.u32 v30, $0x3;
	v17 =	vmul.f32 v17, v41;
	v62 =	vor.u32 $0x280, v0;
	[tilespmem:s6+$0x80] =	vst v5;
	v18 =	vld.idx.msk [tilespmem:v1+s13+$0x0], $0xffff  }
0xf1: {  	s1 =	sadd.s32 $0x1B000, s10;
	s21 =	sand.u32 $0x70, s9;
	v63 =	vor.u32 $0x300, v0;
	[tilespmem:s6+$0x300] =	vst v12;
	v1 =	vand.u32 $0x7C00, v9;
	v9 =	vmul.f32 v20, v27;
	v20 =	vld.idx.msk [tilespmem:v15+s13+$0x0], $0xffff  }
0xf2: {  	s21 =	sor.u32 s21, s1;
	v10 =	vmul.f32 v22, v31;
	v5 =	vand.u32 $0x7F, v30;
	[tilespmem:s6+$0x200] =	vst v3;
	v19 =	vld.idx.msk [tilespmem:v8+s13+$0x0], $0xffff;
	v8 =	vor.u32 $0x180, v0  }
0xf3: {  	v14 =	vor.u32 $0x380, v0;
	v1 =	vor.u32 v1, v5;
	v5 =	vor.u32 $0x200, v0;
	[tilespmem:s21+$0x380] =	vst v2;
	v2 =	vld.idx.msk [tilespmem:v11+s13+$0x0], $0xffff  }
0xf4: {  	v22 =	vmul.f32 v24, v33;
	[tilespmem:s6+$0x180] =	vst v9;
	v9 =	vor.u32 $0x80, v1;
	v15 =	vor.u32 $0x100, v1;
	v3 =	vld.idx.msk [tilespmem:v16+s13+$0x0], $0xffff  }
0xf5: {  	[tilespmem:s6+$0x280] =	vst v10;
	v10 =	vor.u32 $0x200, v1;
	v16 =	vmul.f32 v13, v6;
	v13 =	vmul.f32 v4, v35;
	v6 =	vld.idx.msk [tilespmem:v62+s13+$0x0], $0xffff  }
0xf6: {  	s10 =	simm.s32 $0x20;
	[tilespmem:s6+$0x380] =	vst v22;
	v23 =	vmul.f32 v7, v36;
	v12 =	vor.u32 $0x300, v1;
	v11 =	vor.u32 $0x180, v1;
	v7 =	vld.idx.msk [tilespmem:v63+s13+$0x0], $0xffff  }
0xf7: {  	s7 =	sand.u32 $0x60, s10;
	v21 =	vmul.f32 v21, v61;
	v18 =	vmul.f32 v18, v38;
	[tilespmem:s21+$0x80] =	vst v13;
	v13 =	vor.u32 $0x380, v1;
	v4 =	vld.idx.msk [tilespmem:v8+s13+$0x0], $0xffff  }
0xf8: {  	s11 =	sadd.s32 $0x20, s11;
	s10 =	simm.s32 $0x2;
	s1 =	sor.u32 s7, s1;
	[tilespmem:s21+$0x100] =	vst v23;
	v20 =	vmul.f32 v20, v60;
	v8 =	vor.u32 $0x280, v1;
	v5 =	vld.idx.msk [tilespmem:v5+s13+$0x0], $0xffff;
	v19 =	vmul.f32 v19, v59  }
.LBB2_6:
0xf9: {  	v22 =	vld [tilespmem:s11+$0x0];
	[tilespmem:s21+$0x180] =	vst v18  }
0xfa: {  	v18 =	vld [tilespmem:s11+$0xFFFFFFF0];
	[tilespmem:s21+$0x200] =	vst v19  }
0xfb: {  	v19 =	vld.idx.msk [tilespmem:v14+s13+$0x0], $0xffff;
	[tilespmem:s21+$0x280] =	vst v20  }
0xfc: {  	v20 =	vld.idx.msk [tilespmem:v9+s12+$0x0], $0xffff;
	[tilespmem:s21+$0x300] =	vst v21  }
0xfd: {  	v21 =	vld.idx.msk [tilespmem:v15+s12+$0x0], $0xffff;
	[tilespmem:s6+$0x0] =	vst v16;
	s6 =	smov.u32 s1  }
0xfe: {  	s10 =	sadd.s32 $0x2, s10;
	v9 =	vshll.u32 v22, $0x3;
	v16 =	vld.idx.msk [tilespmem:v11+s12+$0x0], $0xffff;
	[tilespmem:s21+$0x0] =	vst v17  }
0xff: {  	p1 =	slt.u32 s10, $0x3E;
	v14 =	vand.u32 $0x7F, v22;
	v11 =	vshrl.u32 v18, $0x10;
	v9 =	vand.u32 $0x7C00, v9;
	v17 =	vld.idx.msk [tilespmem:v10+s12+$0x0], $0xffff  }
0x100: {  	v10 =	vshrl.u32 v18, $0xD;
	v15 =	vand.u32 $0x78, v11;
	v9 =	vor.u32 v9, v14;
	v23 =	vld.idx.msk [tilespmem:v8+s12+$0x0], $0xffff  }
0x101: {  	v8 =	vshll.u32 v18, $0x3;
	v10 =	vand.u32 $0x7FC00, v10;
	v14 =	vor.u32 $0x80, v9;
	v24 =	vld.idx.msk [tilespmem:v12+s12+$0x0], $0xffff  }
0x102: {  	v8 =	vand.u32 $0x7C00, v8;
	v10 =	vor.u32 v15, v10;
	v12 =	vor.u32 $0x100, v9;
	v25 =	vld.idx.msk [tilespmem:v13+s12+$0x0], $0xffff  }
0x103: {  	v15 =	vor.u32 $0x180, v9;
	v13 =	vshrl.u32 v22, $0x10;
	v22 =	vshrl.u32 v22, $0xD;
	v26 =	vld.idx.msk [tilespmem:v0+s13+$0x0], $0xffff  }
0x104: {  	v27 =	vor.u32 $0x200, v9;
	v0 =	vand.u32 $0x7FC00, v22;
	v22 =	vand.u32 $0x78, v13;
	v28 =	vld.idx.msk [tilespmem:v1+s12+$0x0], $0xffff  }
0x105: {  	v30 =	vor.u32 $0x280, v9;
	v1 =	vand.u32 $0x7, v13;
	v0 =	vor.u32 v22, v0;
	v29 =	vld.idx.msk [tilespmem:v9+s12+$0x0], $0xffff  }
0x106: {  	v11 =	vand.u32 $0x7, v11;
	v13 =	vor.u32 $0x380, v9;
	v31 =	vor.u32 v1, v0;
	v22 =	vld.idx.msk [tilespmem:v14+s12+$0x0], $0xffff  }
0x107: {  	v1 =	vand.u32 $0x7F, v18;
	v0 =	vor.u32 v11, v10;
	v10 =	vor.u32 $0x380, v31;
	v18 =	vld.idx.msk [tilespmem:v12+s12+$0x0], $0xffff  }
0x108: {  	v1 =	vor.u32 v8, v1;
	v32 =	vor.u32 $0x80, v0;
	v12 =	vor.u32 $0x300, v9;
	v33 =	vld.idx.msk [tilespmem:v15+s12+$0x0], $0xffff  }
0x109: {  	v34 =	vor.u32 $0x100, v0;
	v35 =	vor.u32 $0x180, v0;
	v36 =	vor.u32 $0x200, v0;
	v27 =	vld.idx.msk [tilespmem:v27+s12+$0x0], $0xffff  }
0x10a: {  	v37 =	vor.u32 $0x280, v0;
	v38 =	vor.u32 $0x300, v0;
	v39 =	vor.u32 $0x80, v31;
	v30 =	vld.idx.msk [tilespmem:v30+s12+$0x0], $0xffff  }
0x10b: {  	v14 =	vor.u32 $0x380, v0;
	v41 =	vor.u32 $0x100, v31;
	v9 =	vor.u32 $0x80, v1;
	v40 =	vld.idx.msk [tilespmem:v13+s12+$0x0], $0xffff  }
0x10c: {  	v42 =	vor.u32 $0x180, v31;
	v11 =	vor.u32 $0x180, v1;
	v15 =	vor.u32 $0x100, v1;
	v43 =	vld.idx.msk [tilespmem:v10+s13+$0x0], $0xffff  }
0x10d: {  	v45 =	vor.u32 $0x200, v31;
	v8 =	vor.u32 $0x280, v1;
	v10 =	vor.u32 $0x200, v1;
	v44 =	vld.idx.msk [tilespmem:v12+s12+$0x0], $0xffff  }
0x10e: {  	v47 =	vor.u32 $0x280, v31;
	v13 =	vor.u32 $0x380, v1;
	v12 =	vor.u32 $0x300, v1;
	v46 =	vld.idx.msk [tilespmem:v31+s13+$0x0], $0xffff  }
0x10f: {  	v2 =	vmul.f32 v2, v20;
	v3 =	vmul.f32 v3, v21;
	v31 =	vor.u32 $0x300, v31;
	v39 =	vld.idx.msk [tilespmem:v39+s13+$0x0], $0xffff  }
0x110: {  	s8 =	sadd.s32 $0x100, s8;
	v4 =	vmul.f32 v4, v16;
	v5 =	vmul.f32 v5, v17;
	v20 =	vld.idx.msk [tilespmem:v41+s13+$0x0], $0xffff  }
0x111: {  	s9 =	sadd.s32 $0x20, s9;
	s1 =	sand.u32 $0x1C00, s8;
	v6 =	vmul.f32 v6, v23;
	v7 =	vmul.f32 v7, v24;
	v21 =	vld.idx.msk [tilespmem:v42+s13+$0x0], $0xffff;
	[tilespmem:s6+$0x80] =	vst v2  }
0x112: {  	s7 =	sadd.s32 $0xFFFFFFF0, s9;
	s1 =	sadd.s32 $0x1B000, s1;
	s21 =	sand.u32 $0x70, s9;
	v24 =	vmul.f32 v19, v25;
	v2 =	vmul.f32 v43, v40;
	v23 =	vld.idx.msk [tilespmem:v45+s13+$0x0], $0xffff;
	[tilespmem:s6+$0x100] =	vst v3  }
0x113: {  	s7 =	sand.u32 $0x60, s7;
	s21 =	sor.u32 s21, s1;
	v16 =	vmul.f32 v26, v28;
	v25 =	vld.idx.msk [tilespmem:v47+s13+$0x0], $0xffff;
	[tilespmem:s6+$0x180] =	vst v4  }
0x114: {  	s1 =	sor.u32 s7, s1;
	v17 =	vmul.f32 v46, v29;
	v26 =	vld.idx.msk [tilespmem:v31+s13+$0x0], $0xffff;
	[tilespmem:s21+$0x380] =	vst v2  }
0x115: {  	v22 =	vmul.f32 v39, v22;
	v2 =	vld.idx.msk [tilespmem:v32+s13+$0x0], $0xffff;
	[tilespmem:s6+$0x200] =	vst v5  }
.Ltmp5:
0x116: {  	v28 =	vmul.f32 v20, v18;
	v3 =	vld.idx.msk [tilespmem:v34+s13+$0x0], $0xffff;
	[tilespmem:s6+$0x280] =	vst v6;
	(pc) =	sbr.rel @p1 .LBB2_6-.Ltmp5, $4  }
0x117: {  	v18 =	vmul.f32 v21, v33;
	v4 =	vld.idx.msk [tilespmem:v35+s13+$0x0], $0xffff;
	[tilespmem:s6+$0x300] =	vst v7  }
0x118: {  	v19 =	vmul.f32 v23, v27;
	v5 =	vld.idx.msk [tilespmem:v36+s13+$0x0], $0xffff;
	[tilespmem:s6+$0x380] =	vst v24  }
0x119: {  	v20 =	vmul.f32 v25, v30;
	v6 =	vld.idx.msk [tilespmem:v37+s13+$0x0], $0xffff;
	[tilespmem:s21+$0x80] =	vst v22  }
0x11a: {  	s11 =	sadd.s32 $0x20, s11;
	v21 =	vmul.f32 v26, v44;
	v7 =	vld.idx.msk [tilespmem:v38+s13+$0x0], $0xffff;
	[tilespmem:s21+$0x100] =	vst v28  }
0x11b: {  	_ =	sdelay $0x3  }
0x11c: {  	v14 =	vld.idx.msk [tilespmem:v14+s13+$0x0], $0xffff  }
0x11d: {  	v9 =	vld.idx.msk [tilespmem:v9+s12+$0x0], $0xffff  }
0x11e: {  	v15 =	vld.idx.msk [tilespmem:v15+s12+$0x0], $0xffff  }
0x11f: {  	v11 =	vld.idx.msk [tilespmem:v11+s12+$0x0], $0xffff;
	[tilespmem:s21+$0x180] =	vst v18  }
0x120: {  	v10 =	vld.idx.msk [tilespmem:v10+s12+$0x0], $0xffff;
	[tilespmem:s21+$0x200] =	vst v19  }
0x121: {  	v8 =	vld.idx.msk [tilespmem:v8+s12+$0x0], $0xffff;
	[tilespmem:s21+$0x280] =	vst v20  }
0x122: {  	v12 =	vld.idx.msk [tilespmem:v12+s12+$0x0], $0xffff;
	[tilespmem:s6+$0x0] =	vst v16  }
0x123: {  	v13 =	vld.idx.msk [tilespmem:v13+s12+$0x0], $0xffff;
	[tilespmem:s21+$0x0] =	vst v17;
	v2 =	vmul.f32 v2, v9  }
0x124: {  	v0 =	vld.idx.msk [tilespmem:v0+s13+$0x0], $0xffff;
	[tilespmem:s21+$0x300] =	vst v21;
	v3 =	vmul.f32 v3, v15  }
0x125: {  	v1 =	vld.idx.msk [tilespmem:v1+s12+$0x0], $0xffff;
	v4 =	vmul.f32 v4, v11;
	[tilespmem:s1+$0x80] =	vst v2  }
0x126: {  	v60 =	vmul.f32 v5, v10;
	[tilespmem:s1+$0x100] =	vst v3  }
0x127: {  	s0 =	sadd.s32 $0x1, s0;
	v61 =	vmul.f32 v6, v8;
	[tilespmem:s1+$0x180] =	vst v4  }
0x128: {  	s3 =	smul.u32 $0x9C4000, s3;
	p1 =	sne.s32 s0, $0xA;
	v62 =	vmul.f32 v7, v12;
	[tilespmem:s1+$0x200] =	vst v60  }
.Ltmp6:
0x129: {  	v63 =	vmul.f32 v14, v13;
	[tilespmem:s1+$0x280] =	vst v61;
	(pc) =	sbr.rel @p1 .LBB2_3-.Ltmp6, $4  }
0x12a: {  	s3 =	sadd.s32 s26, s3;
	v0 =	vmul.f32 v0, v1;
	[tilespmem:s1+$0x300] =	vst v62  }
0x12b: {  	s3 =	sshrl.u32 s3, $0x3;
	[tilespmem:s1+$0x380] =	vst v63  }
0x12c: {  	s31 =	sadd.s32 $0x800, s31;
	s30 =	sadd.s32 $0x800, s30;
	s21 =	sadd.s32 s2, s3;
	[tilespmem:s1+$0x0] =	vst v0  }
0x12d: {  	[hbm4b:s21+s4] =	stream.linear.scatter [tilespmem:s16], [sflag:$0x2], $0x2000, $0x38;
	[tilespmem:$0x1D000] =	vst v63  }
0x12e: {  	p1 =	sgt.u32 s23, $0x4C1  }
.Ltmp7:
0x12f: {  	_ = 	snop;
	(pc) =	sbr.rel @p1 .LBB2_10-.Ltmp7, $1  }
0x130: {  	_ =	sdelay $0x3  }
0x131: {  	s0 =	sadd.s32 $0x40, s24  }
.Ltmp8:
0x132: {  	s3 =	rddreg [dreg:$0x0];
	s1 =	sshll.u32 s0, $0xC;
	(pc) =	sbr.rel .LBB2_11-.Ltmp8, $4  }
0x133: {  	s0 =	sshll.u32 s0, $0xA;
	s1 =	sadd.s32 s3, s1  }
0x134: {  	[tilespmem:s12], [sflag:$0x3] =	stream.linear.gather [hbm4b:s1+s4], $0x8000, $0x38;
	[tilespmem:$0x1D000] =	vst v63  }
0x135: {  	s0 =	sadd.s32 s5, s0  }
0x136: {  	[tilespmem:s13], [sflag:$0x3] =	stream.linear.gather [hbm4b:s0+s4], $0x2000, $0x38;
	[tilespmem:$0x1D000] =	vst v63  }
.LBB2_10:
.Ltmp9:
0x137: {  	(pc) =	sbr.rel @p0 .LBB2_17-.Ltmp9, $1  }
0x138: {  	_ =	sdelay $0x3  }
.LBB2_11:
0x139: {  	_ =	swait.ge [sflag:s14], $0x8000  }
0x13a: {  	[sflag:s14] =	ssyncset.done $0x0  }
0x13b: {  	[sflag:s14] =	ssyncadd.s32 $0xFFFF8000  }
0x13c: {  	s0 =	sshll.u32 s23, $0xD;
	s23 =	simm.s32 $0x0;
	_ =	swait.ge [sflag:s14], $0x2000  }
0x13d: {  	s24 =	simm.s32 $0x10;
	s25 =	simm.s32 $0x410;
	[sflag:s14] =	ssyncset.done $0x0  }
0x13e: {  	s26 =	simm.s32 $0x10;
	s28 =	simm.s32 $0x0;
	[sflag:s14] =	ssyncadd.s32 $0xFFFFE000  }
.LBB2_12:
0x13f: {  	_ =	swait.ge [sflag:s17], $0x2000  }
0x140: {  	[sflag:s17] =	ssyncset.done $0x0  }
0x141: {  	[sflag:s17] =	ssyncadd.s32 $0xFFFFE000  }
0x142: {  	v0 =	vld [tilespmem:s26+$0x0]  }
0x143: {  	v6 =	vld [tilespmem:s26+$0xFFFFFFF0]  }
0x144: {  	s10 =	sadd.s32 $0x20, s26  }
0x145: {  	v28 =	vld [tilespmem:s10+$0x0];
	_ =	sdelay $0x1  }
0x146: {  	v1 =	vshll.u32 v0, $0x3  }
0x147: {  	v2 =	vand.u32 $0x7F, v0;
	v13 =	vshrl.u32 v6, $0x10;
	v14 =	vshrl.u32 v6, $0xD  }
0x148: {  	v24 =	vshll.u32 v6, $0x3;
	v6 =	vand.u32 $0x7F, v6;
	v1 =	vand.u32 $0x7C00, v1  }
0x149: {  	v34 =	vshll.u32 v28, $0x3;
	v24 =	vand.u32 $0x7C00, v24;
	v1 =	vor.u32 v1, v2  }
0x14a: {  	v35 =	vand.u32 $0x7F, v28;
	v34 =	vand.u32 $0x7C00, v34;
	v6 =	vor.u32 v24, v6  }
0x14b: {  	v4 =	vshrl.u32 v0, $0x10;
	v34 =	vor.u32 v34, v35  }
0x14c: {  	v0 =	vshrl.u32 v0, $0xD;
	v2 =	vor.u32 $0x80, v1;
	v3 =	vor.u32 $0x100, v1  }
0x14d: {  	v30 =	vld [tilespmem:s10+$0xFFFFFFF0];
	v5 =	vor.u32 $0x180, v1;
	v7 =	vor.u32 $0x200, v1;
	v25 =	vor.u32 $0x80, v6  }
0x14e: {  	v26 =	vor.u32 $0x100, v6;
	v27 =	vor.u32 $0x180, v6;
	v29 =	vor.u32 $0x200, v6;
	v9 =	vld.idx.msk [tilespmem:v1+s18+$0x0], $0xffff  }
0x14f: {  	v31 =	vor.u32 $0x280, v6;
	v32 =	vor.u32 $0x300, v6;
	v33 =	vor.u32 $0x380, v6;
	v6 =	vld.idx.msk [tilespmem:v6+s18+$0x0], $0xffff  }
0x150: {  	v0 =	vand.u32 $0x7FC00, v0;
	v8 =	vand.u32 $0x78, v4;
	v10 =	vor.u32 $0x280, v1;
	v41 =	vld.idx.msk [tilespmem:v34+s18+$0x0], $0xffff  }
0x151: {  	v4 =	vand.u32 $0x7, v4;
	v0 =	vor.u32 v8, v0;
	v8 =	vor.u32 $0x380, v1;
	v2 =	vld.idx.msk [tilespmem:v2+s18+$0x0], $0xffff  }
0x152: {  	v0 =	vor.u32 v4, v0;
	v3 =	vld.idx.msk [tilespmem:v3+s18+$0x0], $0xffff  }
0x153: {  	v5 =	vld.idx.msk [tilespmem:v5+s18+$0x0], $0xffff  }
0x154: {  	v7 =	vld.idx.msk [tilespmem:v7+s18+$0x0], $0xffff  }
0x155: {  	v10 =	vld.idx.msk [tilespmem:v10+s18+$0x0], $0xffff  }
0x156: {  	v16 =	vand.u32 $0x78, v13;
	v14 =	vand.u32 $0x7FC00, v14;
	v8 =	vld.idx.msk [tilespmem:v8+s18+$0x0], $0xffff  }
0x157: {  	v14 =	vor.u32 v16, v14;
	v16 =	vld.idx.msk [tilespmem:v0+s19+$0x0], $0xffff  }
0x158: {  	v25 =	vld.idx.msk [tilespmem:v25+s18+$0x0], $0xffff  }
0x159: {  	v13 =	vand.u32 $0x7, v13;
	v26 =	vld.idx.msk [tilespmem:v26+s18+$0x0], $0xffff  }
0x15a: {  	v13 =	vor.u32 v13, v14;
	v27 =	vld.idx.msk [tilespmem:v27+s18+$0x0], $0xffff  }
0x15b: {  	v35 =	vor.u32 $0x80, v34;
	v29 =	vld.idx.msk [tilespmem:v29+s18+$0x0], $0xffff  }
0x15c: {  	v36 =	vor.u32 $0x100, v34;
	v38 =	vor.u32 $0x180, v34;
	v31 =	vld.idx.msk [tilespmem:v31+s18+$0x0], $0xffff  }
0x15d: {  	v39 =	vor.u32 $0x200, v34;
	v42 =	vor.u32 $0x280, v34;
	v14 =	vor.u32 $0x80, v13;
	v32 =	vld.idx.msk [tilespmem:v32+s18+$0x0], $0xffff  }
0x15e: {  	v19 =	vor.u32 $0x100, v13;
	v20 =	vor.u32 $0x180, v13;
	v21 =	vor.u32 $0x200, v13;
	v33 =	vld.idx.msk [tilespmem:v33+s18+$0x0], $0xffff  }
0x15f: {  	v22 =	vor.u32 $0x280, v13;
	v23 =	vor.u32 $0x300, v13;
	v57 =	vor.u32 $0x380, v13;
	v13 =	vld.idx.msk [tilespmem:v13+s19+$0x0], $0xffff  }
0x160: {  	v4 =	vor.u32 $0x380, v0;
	v35 =	vld.idx.msk [tilespmem:v35+s18+$0x0], $0xffff  }
0x161: {  	v11 =	vor.u32 $0x80, v0;
	v36 =	vld.idx.msk [tilespmem:v36+s18+$0x0], $0xffff  }
0x162: {  	v12 =	vor.u32 $0x100, v0;
	v38 =	vld.idx.msk [tilespmem:v38+s18+$0x0], $0xffff  }
0x163: {  	v15 =	vor.u32 $0x180, v0;
	v59 =	vld.idx.msk [tilespmem:v39+s18+$0x0], $0xffff  }
0x164: {  	v17 =	vor.u32 $0x200, v0;
	v60 =	vld.idx.msk [tilespmem:v42+s18+$0x0], $0xffff  }
0x165: {  	v18 =	vor.u32 $0x280, v0;
	v4 =	vld.idx.msk [tilespmem:v4+s19+$0x0], $0xffff  }
0x166: {  	v11 =	vld.idx.msk [tilespmem:v11+s19+$0x0], $0xffff  }
0x167: {  	v12 =	vld.idx.msk [tilespmem:v12+s19+$0x0], $0xffff  }
0x168: {  	v15 =	vld.idx.msk [tilespmem:v15+s19+$0x0], $0xffff  }
0x169: {  	v17 =	vld.idx.msk [tilespmem:v17+s19+$0x0], $0xffff  }
0x16a: {  	v18 =	vld.idx.msk [tilespmem:v18+s19+$0x0], $0xffff  }
0x16b: {  	v1 =	vor.u32 $0x300, v1;
	v14 =	vld.idx.msk [tilespmem:v14+s19+$0x0], $0xffff  }
0x16c: {  	v37 =	vshrl.u32 v28, $0x10;
	v28 =	vshrl.u32 v28, $0xD;
	v0 =	vor.u32 $0x300, v0;
	v19 =	vld.idx.msk [tilespmem:v19+s19+$0x0], $0xffff  }
0x16d: {  	v28 =	vand.u32 $0x7FC00, v28;
	v40 =	vand.u32 $0x78, v37;
	v20 =	vld.idx.msk [tilespmem:v20+s19+$0x0], $0xffff  }
0x16e: {  	s1 =	sand.u32 $0x1C00, s23;
	v37 =	vand.u32 $0x7, v37;
	v28 =	vor.u32 v40, v28;
	v21 =	vld.idx.msk [tilespmem:v21+s19+$0x0], $0xffff  }
0x16f: {  	s3 =	sand.u32 $0x70, s24;
	s1 =	sadd.s32 $0x19000, s1;
	v58 =	vor.u32 $0x380, v34;
	v28 =	vor.u32 v37, v28;
	v22 =	vld.idx.msk [tilespmem:v22+s19+$0x0], $0xffff;
	v4 =	vmul.f32 v4, v8  }
0x170: {  	s6 =	sor.u32 s3, s1;
	v37 =	vor.u32 $0x380, v28;
	v1 =	vld.idx.msk [tilespmem:v1+s18+$0x0], $0xffff;
	v2 =	vmul.f32 v11, v2  }
0x171: {  	v0 =	vld.idx.msk [tilespmem:v0+s19+$0x0], $0xffff;
	v3 =	vmul.f32 v12, v3;
	[tilespmem:s6+$0x380] =	vst v4  }
0x172: {  	v23 =	vld.idx.msk [tilespmem:v23+s19+$0x0], $0xffff;
	v8 =	vor.u32 $0x300, v34;
	v5 =	vmul.f32 v15, v5;
	[tilespmem:s6+$0x80] =	vst v2  }
0x173: {  	v24 =	vld.idx.msk [tilespmem:v57+s19+$0x0], $0xffff;
	v7 =	vmul.f32 v17, v7;
	v11 =	vor.u32 $0x100, v28;
	v10 =	vmul.f32 v18, v10;
	[tilespmem:s6+$0x100] =	vst v3  }
0x174: {  	v12 =	vshrl.u32 v30, $0xD;
	v15 =	vor.u32 $0x280, v28;
	v4 =	vor.u32 $0x80, v28;
	v2 =	vld.idx.msk [tilespmem:v58+s18+$0x0], $0xffff;
	[tilespmem:s6+$0x180] =	vst v5  }
0x175: {  	v12 =	vand.u32 $0x7FC00, v12;
	v3 =	vld.idx.msk [tilespmem:v37+s19+$0x0], $0xffff;
	v5 =	vshrl.u32 v30, $0x10;
	[tilespmem:s6+$0x280] =	vst v10;
	v10 =	vor.u32 $0x300, v28  }
0x176: {  	s21 =	simm.s32 $0x0;
	v17 =	vld.idx.msk [tilespmem:v28+s19+$0x0], $0xffff;
	[tilespmem:s6+$0x200] =	vst v7;
	v7 =	vand.u32 $0x78, v5;
	v0 =	vmul.f32 v0, v1;
	v1 =	vor.u32 $0x180, v28  }
0x177: {  	s3 =	sand.u32 $0x60, s21;
	v5 =	vand.u32 $0x7, v5;
	v7 =	vor.u32 v7, v12;
	v12 =	vmul.f32 v19, v26;
	v61 =	vld.idx.msk [tilespmem:v8+s18+$0x0], $0xffff  }
0x178: {  	s3 =	sor.u32 s3, s1;
	v9 =	vmul.f32 v16, v9;
	v8 =	vor.u32 $0x200, v28;
	[tilespmem:s6+$0x300] =	vst v0;
	v0 =	vor.u32 v5, v7;
	v7 =	vld.idx.msk [tilespmem:v11+s19+$0x0], $0xffff  }
0x179: {  	v5 =	vmul.f32 v14, v25;
	[tilespmem:s3+$0x100] =	vst v12;
	v12 =	vmul.f32 v23, v32;
	v4 =	vld.idx.msk [tilespmem:v4+s19+$0x0], $0xffff;
	v11 =	vor.u32 $0x80, v0  }
0x17a: {  	[tilespmem:s6+$0x0] =	vst v9;
	s6 =	simm.s32 $0x100;
	v16 =	vor.u32 $0x100, v0;
	v2 =	vmul.f32 v3, v2;
	v3 =	vmul.f32 v21, v29;
	v21 =	vld.idx.msk [tilespmem:v10+s19+$0x0], $0xffff  }
0x17b: {  	s8 =	simm.s32 $0x30;
	v9 =	vshll.u32 v30, $0x3;
	v17 =	vmul.f32 v17, v41;
	s30 =	sand.u32 $0x1C00, s6;
	v62 =	vor.u32 $0x280, v0;
	[tilespmem:s3+$0x80] =	vst v5;
	v18 =	vld.idx.msk [tilespmem:v1+s19+$0x0], $0xffff  }
0x17c: {  	s7 =	sand.u32 $0x70, s8;
	v63 =	vor.u32 $0x300, v0;
	s1 =	sadd.s32 $0x19000, s30;
	[tilespmem:s3+$0x300] =	vst v12;
	v1 =	vand.u32 $0x7C00, v9;
	v9 =	vmul.f32 v20, v27;
	v20 =	vld.idx.msk [tilespmem:v15+s19+$0x0], $0xffff  }
0x17d: {  	v10 =	vmul.f32 v22, v31;
	v5 =	vand.u32 $0x7F, v30;
	s11 =	sor.u32 s7, s1;
	[tilespmem:s3+$0x200] =	vst v3;
	v19 =	vld.idx.msk [tilespmem:v8+s19+$0x0], $0xffff;
	v8 =	vor.u32 $0x180, v0  }
0x17e: {  	v14 =	vor.u32 $0x380, v0;
	v1 =	vor.u32 v1, v5;
	v5 =	vor.u32 $0x200, v0;
	[tilespmem:s11+$0x380] =	vst v2;
	v2 =	vld.idx.msk [tilespmem:v11+s19+$0x0], $0xffff  }
0x17f: {  	v22 =	vmul.f32 v24, v33;
	[tilespmem:s3+$0x180] =	vst v9;
	v9 =	vor.u32 $0x80, v1;
	v15 =	vor.u32 $0x100, v1;
	v3 =	vld.idx.msk [tilespmem:v16+s19+$0x0], $0xffff  }
0x180: {  	[tilespmem:s3+$0x280] =	vst v10;
	v10 =	vor.u32 $0x200, v1;
	v16 =	vmul.f32 v13, v6;
	v13 =	vmul.f32 v4, v35;
	v6 =	vld.idx.msk [tilespmem:v62+s19+$0x0], $0xffff  }
0x181: {  	s31 =	simm.s32 $0x20;
	[tilespmem:s3+$0x380] =	vst v22;
	v23 =	vmul.f32 v7, v36;
	v12 =	vor.u32 $0x300, v1;
	v11 =	vor.u32 $0x180, v1;
	v7 =	vld.idx.msk [tilespmem:v63+s19+$0x0], $0xffff  }
0x182: {  	s7 =	sand.u32 $0x60, s31;
	v21 =	vmul.f32 v21, v61;
	v18 =	vmul.f32 v18, v38;
	[tilespmem:s11+$0x80] =	vst v13;
	v13 =	vor.u32 $0x380, v1;
	v4 =	vld.idx.msk [tilespmem:v8+s19+$0x0], $0xffff  }
0x183: {  	s9 =	simm.s32 $0x2;
	s10 =	sadd.s32 $0x20, s10;
	s1 =	sor.u32 s7, s1;
	[tilespmem:s11+$0x100] =	vst v23;
	v20 =	vmul.f32 v20, v60;
	v8 =	vor.u32 $0x280, v1;
	v5 =	vld.idx.msk [tilespmem:v5+s19+$0x0], $0xffff;
	v19 =	vmul.f32 v19, v59  }
.LBB2_13:
0x184: {  	v22 =	vld [tilespmem:s10+$0x0];
	[tilespmem:s11+$0x180] =	vst v18  }
0x185: {  	v18 =	vld [tilespmem:s10+$0xFFFFFFF0];
	[tilespmem:s11+$0x200] =	vst v19  }
0x186: {  	v19 =	vld.idx.msk [tilespmem:v14+s19+$0x0], $0xffff;
	[tilespmem:s11+$0x280] =	vst v20  }
0x187: {  	v20 =	vld.idx.msk [tilespmem:v9+s18+$0x0], $0xffff;
	[tilespmem:s11+$0x300] =	vst v21  }
0x188: {  	v21 =	vld.idx.msk [tilespmem:v15+s18+$0x0], $0xffff;
	[tilespmem:s3+$0x0] =	vst v16;
	s3 =	smov.u32 s1  }
0x189: {  	s9 =	sadd.s32 $0x2, s9;
	v9 =	vshll.u32 v22, $0x3;
	v16 =	vld.idx.msk [tilespmem:v11+s18+$0x0], $0xffff;
	[tilespmem:s11+$0x0] =	vst v17  }
0x18a: {  	p0 =	slt.u32 s9, $0x3E;
	v14 =	vand.u32 $0x7F, v22;
	v11 =	vshrl.u32 v18, $0x10;
	v9 =	vand.u32 $0x7C00, v9;
	v17 =	vld.idx.msk [tilespmem:v10+s18+$0x0], $0xffff  }
0x18b: {  	v10 =	vshrl.u32 v18, $0xD;
	v15 =	vand.u32 $0x78, v11;
	v9 =	vor.u32 v9, v14;
	v23 =	vld.idx.msk [tilespmem:v8+s18+$0x0], $0xffff  }
0x18c: {  	v8 =	vshll.u32 v18, $0x3;
	v10 =	vand.u32 $0x7FC00, v10;
	v14 =	vor.u32 $0x80, v9;
	v24 =	vld.idx.msk [tilespmem:v12+s18+$0x0], $0xffff  }
0x18d: {  	v8 =	vand.u32 $0x7C00, v8;
	v10 =	vor.u32 v15, v10;
	v12 =	vor.u32 $0x100, v9;
	v25 =	vld.idx.msk [tilespmem:v13+s18+$0x0], $0xffff  }
0x18e: {  	v15 =	vor.u32 $0x180, v9;
	v13 =	vshrl.u32 v22, $0x10;
	v22 =	vshrl.u32 v22, $0xD;
	v26 =	vld.idx.msk [tilespmem:v0+s19+$0x0], $0xffff  }
0x18f: {  	v27 =	vor.u32 $0x200, v9;
	v0 =	vand.u32 $0x7FC00, v22;
	v22 =	vand.u32 $0x78, v13;
	v28 =	vld.idx.msk [tilespmem:v1+s18+$0x0], $0xffff  }
0x190: {  	v30 =	vor.u32 $0x280, v9;
	v1 =	vand.u32 $0x7, v13;
	v0 =	vor.u32 v22, v0;
	v29 =	vld.idx.msk [tilespmem:v9+s18+$0x0], $0xffff  }
0x191: {  	v11 =	vand.u32 $0x7, v11;
	v13 =	vor.u32 $0x380, v9;
	v31 =	vor.u32 v1, v0;
	v22 =	vld.idx.msk [tilespmem:v14+s18+$0x0], $0xffff  }
0x192: {  	v1 =	vand.u32 $0x7F, v18;
	v0 =	vor.u32 v11, v10;
	v10 =	vor.u32 $0x380, v31;
	v18 =	vld.idx.msk [tilespmem:v12+s18+$0x0], $0xffff  }
0x193: {  	v1 =	vor.u32 v8, v1;
	v32 =	vor.u32 $0x80, v0;
	v12 =	vor.u32 $0x300, v9;
	v33 =	vld.idx.msk [tilespmem:v15+s18+$0x0], $0xffff  }
0x194: {  	v34 =	vor.u32 $0x100, v0;
	v35 =	vor.u32 $0x180, v0;
	v36 =	vor.u32 $0x200, v0;
	v27 =	vld.idx.msk [tilespmem:v27+s18+$0x0], $0xffff  }
0x195: {  	v37 =	vor.u32 $0x280, v0;
	v38 =	vor.u32 $0x300, v0;
	v39 =	vor.u32 $0x80, v31;
	v30 =	vld.idx.msk [tilespmem:v30+s18+$0x0], $0xffff  }
0x196: {  	v14 =	vor.u32 $0x380, v0;
	v41 =	vor.u32 $0x100, v31;
	v9 =	vor.u32 $0x80, v1;
	v40 =	vld.idx.msk [tilespmem:v13+s18+$0x0], $0xffff  }
0x197: {  	v42 =	vor.u32 $0x180, v31;
	v11 =	vor.u32 $0x180, v1;
	v15 =	vor.u32 $0x100, v1;
	v43 =	vld.idx.msk [tilespmem:v10+s19+$0x0], $0xffff  }
0x198: {  	v45 =	vor.u32 $0x200, v31;
	v8 =	vor.u32 $0x280, v1;
	v10 =	vor.u32 $0x200, v1;
	v44 =	vld.idx.msk [tilespmem:v12+s18+$0x0], $0xffff  }
0x199: {  	v47 =	vor.u32 $0x280, v31;
	v13 =	vor.u32 $0x380, v1;
	v12 =	vor.u32 $0x300, v1;
	v46 =	vld.idx.msk [tilespmem:v31+s19+$0x0], $0xffff  }
0x19a: {  	v2 =	vmul.f32 v2, v20;
	v3 =	vmul.f32 v3, v21;
	v31 =	vor.u32 $0x300, v31;
	v39 =	vld.idx.msk [tilespmem:v39+s19+$0x0], $0xffff  }
0x19b: {  	s6 =	sadd.s32 $0x100, s6;
	v4 =	vmul.f32 v4, v16;
	v5 =	vmul.f32 v5, v17;
	v20 =	vld.idx.msk [tilespmem:v41+s19+$0x0], $0xffff  }
0x19c: {  	s8 =	sadd.s32 $0x20, s8;
	s1 =	sand.u32 $0x1C00, s6;
	v6 =	vmul.f32 v6, v23;
	v7 =	vmul.f32 v7, v24;
	v21 =	vld.idx.msk [tilespmem:v42+s19+$0x0], $0xffff;
	[tilespmem:s3+$0x80] =	vst v2  }
0x19d: {  	s7 =	sadd.s32 $0xFFFFFFF0, s8;
	s1 =	sadd.s32 $0x19000, s1;
	s11 =	sand.u32 $0x70, s8;
	v24 =	vmul.f32 v19, v25;
	v2 =	vmul.f32 v43, v40;
	v23 =	vld.idx.msk [tilespmem:v45+s19+$0x0], $0xffff;
	[tilespmem:s3+$0x100] =	vst v3  }
0x19e: {  	s7 =	sand.u32 $0x60, s7;
	s11 =	sor.u32 s11, s1;
	v16 =	vmul.f32 v26, v28;
	v25 =	vld.idx.msk [tilespmem:v47+s19+$0x0], $0xffff;
	[tilespmem:s3+$0x180] =	vst v4  }
0x19f: {  	s1 =	sor.u32 s7, s1;
	v17 =	vmul.f32 v46, v29;
	v26 =	vld.idx.msk [tilespmem:v31+s19+$0x0], $0xffff;
	[tilespmem:s11+$0x380] =	vst v2  }
0x1a0: {  	v22 =	vmul.f32 v39, v22;
	v2 =	vld.idx.msk [tilespmem:v32+s19+$0x0], $0xffff;
	[tilespmem:s3+$0x200] =	vst v5  }
.Ltmp10:
0x1a1: {  	v28 =	vmul.f32 v20, v18;
	v3 =	vld.idx.msk [tilespmem:v34+s19+$0x0], $0xffff;
	[tilespmem:s3+$0x280] =	vst v6;
	(pc) =	sbr.rel @p0 .LBB2_13-.Ltmp10, $4  }
0x1a2: {  	v18 =	vmul.f32 v21, v33;
	v4 =	vld.idx.msk [tilespmem:v35+s19+$0x0], $0xffff;
	[tilespmem:s3+$0x300] =	vst v7  }
0x1a3: {  	v19 =	vmul.f32 v23, v27;
	v5 =	vld.idx.msk [tilespmem:v36+s19+$0x0], $0xffff;
	[tilespmem:s3+$0x380] =	vst v24  }
0x1a4: {  	v20 =	vmul.f32 v25, v30;
	v6 =	vld.idx.msk [tilespmem:v37+s19+$0x0], $0xffff;
	[tilespmem:s11+$0x80] =	vst v22  }
0x1a5: {  	s10 =	sadd.s32 $0x20, s10;
	v21 =	vmul.f32 v26, v44;
	v7 =	vld.idx.msk [tilespmem:v38+s19+$0x0], $0xffff;
	[tilespmem:s11+$0x100] =	vst v28  }
0x1a6: {  	_ =	sdelay $0x3  }
0x1a7: {  	v14 =	vld.idx.msk [tilespmem:v14+s19+$0x0], $0xffff  }
0x1a8: {  	v9 =	vld.idx.msk [tilespmem:v9+s18+$0x0], $0xffff  }
0x1a9: {  	v15 =	vld.idx.msk [tilespmem:v15+s18+$0x0], $0xffff  }
0x1aa: {  	v11 =	vld.idx.msk [tilespmem:v11+s18+$0x0], $0xffff;
	[tilespmem:s11+$0x180] =	vst v18  }
0x1ab: {  	[tilespmem:s11+$0x200] =	vst v19;
	v0 =	vld.idx.msk [tilespmem:v0+s19+$0x0], $0xffff  }
0x1ac: {  	[tilespmem:s11+$0x280] =	vst v20;
	v1 =	vld.idx.msk [tilespmem:v1+s18+$0x0], $0xffff  }
0x1ad: {  	v10 =	vld.idx.msk [tilespmem:v10+s18+$0x0], $0xffff;
	[tilespmem:s3+$0x0] =	vst v16  }
0x1ae: {  	v8 =	vld.idx.msk [tilespmem:v8+s18+$0x0], $0xffff;
	[tilespmem:s11+$0x0] =	vst v17;
	v2 =	vmul.f32 v2, v9  }
0x1af: {  	v12 =	vld.idx.msk [tilespmem:v12+s18+$0x0], $0xffff;
	[tilespmem:s11+$0x300] =	vst v21;
	v3 =	vmul.f32 v3, v15  }
0x1b0: {  	v13 =	vld.idx.msk [tilespmem:v13+s18+$0x0], $0xffff;
	v4 =	vmul.f32 v4, v11;
	[tilespmem:s1+$0x80] =	vst v2  }
0x1b1: {  	v0 =	vmul.f32 v0, v1;
	[tilespmem:s1+$0x100] =	vst v3  }
0x1b2: {  	v2 =	vmul.f32 v5, v10;
	[tilespmem:s1+$0x180] =	vst v4  }
0x1b3: {  	s8 =	smul.u32 $0x1388000, s28;
	v3 =	vmul.f32 v6, v8;
	[tilespmem:s1+$0x0] =	vst v0  }
0x1b4: {  	v4 =	vmul.f32 v7, v12;
	[tilespmem:s1+$0x200] =	vst v2  }
0x1b5: {  	s3 =	sadd.s32 s0, s8;
	v2 =	vmul.f32 v14, v13;
	[tilespmem:s1+$0x280] =	vst v3  }
0x1b6: {  	s3 =	sshrl.u32 s3, $0x3;
	[tilespmem:s1+$0x300] =	vst v4  }
0x1b7: {  	s10 =	simm.s32 $0x0;
	s9 =	sadd.s32 s2, s3;
	[tilespmem:s1+$0x380] =	vst v2  }
0x1b8: {  	[hbm4b:s9+s10] =	stream.linear.scatter [tilespmem:s15], [sflag:$0x1], $0x2000, $0x38;
	[tilespmem:$0x1D000] =	vst v63  }
0x1b9: {  	_ =	swait.ge [sflag:s20], $0x2000  }
0x1ba: {  	[sflag:s20] =	ssyncset.done $0x0  }
0x1bb: {  	[sflag:s20] =	ssyncadd.s32 $0xFFFFE000  }
0x1bc: {  	v0 =	vld [tilespmem:s25+$0x0]  }
0x1bd: {  	v6 =	vld [tilespmem:s25+$0xFFFFFFF0]  }
0x1be: {  	s11 =	sadd.s32 $0x20, s25  }
0x1bf: {  	v28 =	vld [tilespmem:s11+$0x0];
	_ =	sdelay $0x1  }
0x1c0: {  	v1 =	vshll.u32 v0, $0x3  }
0x1c1: {  	v2 =	vand.u32 $0x7F, v0;
	v13 =	vshrl.u32 v6, $0x10;
	v14 =	vshrl.u32 v6, $0xD  }
0x1c2: {  	v24 =	vshll.u32 v6, $0x3;
	v6 =	vand.u32 $0x7F, v6;
	v1 =	vand.u32 $0x7C00, v1  }
0x1c3: {  	v34 =	vshll.u32 v28, $0x3;
	v24 =	vand.u32 $0x7C00, v24;
	v1 =	vor.u32 v1, v2  }
0x1c4: {  	v35 =	vand.u32 $0x7F, v28;
	v34 =	vand.u32 $0x7C00, v34;
	v6 =	vor.u32 v24, v6  }
0x1c5: {  	v4 =	vshrl.u32 v0, $0x10;
	v34 =	vor.u32 v34, v35  }
0x1c6: {  	v0 =	vshrl.u32 v0, $0xD;
	v2 =	vor.u32 $0x80, v1;
	v3 =	vor.u32 $0x100, v1  }
0x1c7: {  	v30 =	vld [tilespmem:s11+$0xFFFFFFF0];
	v5 =	vor.u32 $0x180, v1;
	v7 =	vor.u32 $0x200, v1;
	v25 =	vor.u32 $0x80, v6  }
0x1c8: {  	v26 =	vor.u32 $0x100, v6;
	v27 =	vor.u32 $0x180, v6;
	v29 =	vor.u32 $0x200, v6;
	v9 =	vld.idx.msk [tilespmem:v1+s18+$0x0], $0xffff  }
0x1c9: {  	v31 =	vor.u32 $0x280, v6;
	v32 =	vor.u32 $0x300, v6;
	v33 =	vor.u32 $0x380, v6;
	v6 =	vld.idx.msk [tilespmem:v6+s18+$0x0], $0xffff  }
0x1ca: {  	v0 =	vand.u32 $0x7FC00, v0;
	v8 =	vand.u32 $0x78, v4;
	v10 =	vor.u32 $0x280, v1;
	v41 =	vld.idx.msk [tilespmem:v34+s18+$0x0], $0xffff  }
0x1cb: {  	v4 =	vand.u32 $0x7, v4;
	v0 =	vor.u32 v8, v0;
	v8 =	vor.u32 $0x380, v1;
	v2 =	vld.idx.msk [tilespmem:v2+s18+$0x0], $0xffff  }
0x1cc: {  	v0 =	vor.u32 v4, v0;
	v3 =	vld.idx.msk [tilespmem:v3+s18+$0x0], $0xffff  }
0x1cd: {  	v5 =	vld.idx.msk [tilespmem:v5+s18+$0x0], $0xffff  }
0x1ce: {  	v7 =	vld.idx.msk [tilespmem:v7+s18+$0x0], $0xffff  }
0x1cf: {  	v10 =	vld.idx.msk [tilespmem:v10+s18+$0x0], $0xffff  }
0x1d0: {  	v16 =	vand.u32 $0x78, v13;
	v14 =	vand.u32 $0x7FC00, v14;
	v8 =	vld.idx.msk [tilespmem:v8+s18+$0x0], $0xffff  }
0x1d1: {  	v14 =	vor.u32 v16, v14;
	v16 =	vld.idx.msk [tilespmem:v0+s19+$0x0], $0xffff  }
0x1d2: {  	v25 =	vld.idx.msk [tilespmem:v25+s18+$0x0], $0xffff  }
0x1d3: {  	v13 =	vand.u32 $0x7, v13;
	v26 =	vld.idx.msk [tilespmem:v26+s18+$0x0], $0xffff  }
0x1d4: {  	v13 =	vor.u32 v13, v14;
	v27 =	vld.idx.msk [tilespmem:v27+s18+$0x0], $0xffff  }
0x1d5: {  	v35 =	vor.u32 $0x80, v34;
	v29 =	vld.idx.msk [tilespmem:v29+s18+$0x0], $0xffff  }
0x1d6: {  	v36 =	vor.u32 $0x100, v34;
	v38 =	vor.u32 $0x180, v34;
	v31 =	vld.idx.msk [tilespmem:v31+s18+$0x0], $0xffff  }
0x1d7: {  	v39 =	vor.u32 $0x200, v34;
	v42 =	vor.u32 $0x280, v34;
	v14 =	vor.u32 $0x80, v13;
	v32 =	vld.idx.msk [tilespmem:v32+s18+$0x0], $0xffff  }
0x1d8: {  	v19 =	vor.u32 $0x100, v13;
	v20 =	vor.u32 $0x180, v13;
	v21 =	vor.u32 $0x200, v13;
	v33 =	vld.idx.msk [tilespmem:v33+s18+$0x0], $0xffff  }
0x1d9: {  	v22 =	vor.u32 $0x280, v13;
	v23 =	vor.u32 $0x300, v13;
	v57 =	vor.u32 $0x380, v13;
	v13 =	vld.idx.msk [tilespmem:v13+s19+$0x0], $0xffff  }
0x1da: {  	v4 =	vor.u32 $0x380, v0;
	v35 =	vld.idx.msk [tilespmem:v35+s18+$0x0], $0xffff  }
0x1db: {  	v11 =	vor.u32 $0x80, v0;
	v36 =	vld.idx.msk [tilespmem:v36+s18+$0x0], $0xffff  }
0x1dc: {  	v12 =	vor.u32 $0x100, v0;
	v38 =	vld.idx.msk [tilespmem:v38+s18+$0x0], $0xffff  }
0x1dd: {  	v15 =	vor.u32 $0x180, v0;
	v59 =	vld.idx.msk [tilespmem:v39+s18+$0x0], $0xffff  }
0x1de: {  	v17 =	vor.u32 $0x200, v0;
	v60 =	vld.idx.msk [tilespmem:v42+s18+$0x0], $0xffff  }
0x1df: {  	v18 =	vor.u32 $0x280, v0;
	v4 =	vld.idx.msk [tilespmem:v4+s19+$0x0], $0xffff  }
0x1e0: {  	v11 =	vld.idx.msk [tilespmem:v11+s19+$0x0], $0xffff  }
0x1e1: {  	v12 =	vld.idx.msk [tilespmem:v12+s19+$0x0], $0xffff  }
0x1e2: {  	v15 =	vld.idx.msk [tilespmem:v15+s19+$0x0], $0xffff  }
0x1e3: {  	v17 =	vld.idx.msk [tilespmem:v17+s19+$0x0], $0xffff  }
0x1e4: {  	v18 =	vld.idx.msk [tilespmem:v18+s19+$0x0], $0xffff  }
0x1e5: {  	v1 =	vor.u32 $0x300, v1;
	v14 =	vld.idx.msk [tilespmem:v14+s19+$0x0], $0xffff  }
0x1e6: {  	v37 =	vshrl.u32 v28, $0x10;
	v28 =	vshrl.u32 v28, $0xD;
	v0 =	vor.u32 $0x300, v0;
	v19 =	vld.idx.msk [tilespmem:v19+s19+$0x0], $0xffff  }
0x1e7: {  	v28 =	vand.u32 $0x7FC00, v28;
	v40 =	vand.u32 $0x78, v37;
	v20 =	vld.idx.msk [tilespmem:v20+s19+$0x0], $0xffff  }
0x1e8: {  	s21 =	simm.s32 $0x10;
	s3 =	sand.u32 $0x1C00, s10;
	v37 =	vand.u32 $0x7, v37;
	v28 =	vor.u32 v40, v28;
	v21 =	vld.idx.msk [tilespmem:v21+s19+$0x0], $0xffff  }
0x1e9: {  	s3 =	sadd.s32 $0x1B000, s3;
	s1 =	sand.u32 $0x70, s21;
	v58 =	vor.u32 $0x380, v34;
	v28 =	vor.u32 v37, v28;
	v22 =	vld.idx.msk [tilespmem:v22+s19+$0x0], $0xffff;
	v4 =	vmul.f32 v4, v8  }
0x1ea: {  	s1 =	sor.u32 s1, s3;
	v37 =	vor.u32 $0x380, v28;
	v1 =	vld.idx.msk [tilespmem:v1+s18+$0x0], $0xffff;
	v2 =	vmul.f32 v11, v2  }
0x1eb: {  	v0 =	vld.idx.msk [tilespmem:v0+s19+$0x0], $0xffff;
	v3 =	vmul.f32 v12, v3;
	[tilespmem:s1+$0x380] =	vst v4  }
0x1ec: {  	v23 =	vld.idx.msk [tilespmem:v23+s19+$0x0], $0xffff;
	v8 =	vor.u32 $0x300, v34;
	v5 =	vmul.f32 v15, v5;
	[tilespmem:s1+$0x80] =	vst v2  }
0x1ed: {  	v24 =	vld.idx.msk [tilespmem:v57+s19+$0x0], $0xffff;
	v7 =	vmul.f32 v17, v7;
	v11 =	vor.u32 $0x100, v28;
	v10 =	vmul.f32 v18, v10;
	[tilespmem:s1+$0x100] =	vst v3  }
0x1ee: {  	v12 =	vshrl.u32 v30, $0xD;
	v15 =	vor.u32 $0x280, v28;
	v4 =	vor.u32 $0x80, v28;
	v2 =	vld.idx.msk [tilespmem:v58+s18+$0x0], $0xffff;
	[tilespmem:s1+$0x180] =	vst v5  }
0x1ef: {  	v12 =	vand.u32 $0x7FC00, v12;
	v3 =	vld.idx.msk [tilespmem:v37+s19+$0x0], $0xffff;
	v5 =	vshrl.u32 v30, $0x10;
	[tilespmem:s1+$0x280] =	vst v10;
	v10 =	vor.u32 $0x300, v28  }
0x1f0: {  	s6 =	simm.s32 $0x0;
	v17 =	vld.idx.msk [tilespmem:v28+s19+$0x0], $0xffff;
	[tilespmem:s1+$0x200] =	vst v7;
	v7 =	vand.u32 $0x78, v5;
	v0 =	vmul.f32 v0, v1;
	v1 =	vor.u32 $0x180, v28  }
0x1f1: {  	s6 =	sand.u32 $0x60, s6;
	v5 =	vand.u32 $0x7, v5;
	v7 =	vor.u32 v7, v12;
	v12 =	vmul.f32 v19, v26;
	v61 =	vld.idx.msk [tilespmem:v8+s18+$0x0], $0xffff  }
0x1f2: {  	s3 =	sor.u32 s6, s3;
	v9 =	vmul.f32 v16, v9;
	v8 =	vor.u32 $0x200, v28;
	[tilespmem:s1+$0x300] =	vst v0;
	v0 =	vor.u32 v5, v7;
	v7 =	vld.idx.msk [tilespmem:v11+s19+$0x0], $0xffff  }
0x1f3: {  	v5 =	vmul.f32 v14, v25;
	[tilespmem:s3+$0x100] =	vst v12;
	v12 =	vmul.f32 v23, v32;
	v4 =	vld.idx.msk [tilespmem:v4+s19+$0x0], $0xffff;
	v11 =	vor.u32 $0x80, v0  }
0x1f4: {  	s6 =	simm.s32 $0x100;
	[tilespmem:s1+$0x0] =	vst v9;
	v16 =	vor.u32 $0x100, v0;
	v2 =	vmul.f32 v3, v2;
	v3 =	vmul.f32 v21, v29;
	v21 =	vld.idx.msk [tilespmem:v10+s19+$0x0], $0xffff  }
0x1f5: {  	s8 =	simm.s32 $0x30;
	s30 =	sand.u32 $0x1C00, s6;
	v9 =	vshll.u32 v30, $0x3;
	v17 =	vmul.f32 v17, v41;
	v62 =	vor.u32 $0x280, v0;
	[tilespmem:s3+$0x80] =	vst v5;
	v18 =	vld.idx.msk [tilespmem:v1+s19+$0x0], $0xffff  }
0x1f6: {  	s7 =	sand.u32 $0x70, s8;
	s1 =	sadd.s32 $0x1B000, s30;
	v63 =	vor.u32 $0x300, v0;
	[tilespmem:s3+$0x300] =	vst v12;
	v1 =	vand.u32 $0x7C00, v9;
	v9 =	vmul.f32 v20, v27;
	v20 =	vld.idx.msk [tilespmem:v15+s19+$0x0], $0xffff  }
0x1f7: {  	s21 =	sor.u32 s7, s1;
	v10 =	vmul.f32 v22, v31;
	v5 =	vand.u32 $0x7F, v30;
	[tilespmem:s3+$0x200] =	vst v3;
	v19 =	vld.idx.msk [tilespmem:v8+s19+$0x0], $0xffff;
	v8 =	vor.u32 $0x180, v0  }
0x1f8: {  	v14 =	vor.u32 $0x380, v0;
	v1 =	vor.u32 v1, v5;
	v5 =	vor.u32 $0x200, v0;
	[tilespmem:s21+$0x380] =	vst v2;
	v2 =	vld.idx.msk [tilespmem:v11+s19+$0x0], $0xffff  }
0x1f9: {  	v22 =	vmul.f32 v24, v33;
	[tilespmem:s3+$0x180] =	vst v9;
	v9 =	vor.u32 $0x80, v1;
	v15 =	vor.u32 $0x100, v1;
	v3 =	vld.idx.msk [tilespmem:v16+s19+$0x0], $0xffff  }
0x1fa: {  	[tilespmem:s3+$0x280] =	vst v10;
	v10 =	vor.u32 $0x200, v1;
	v16 =	vmul.f32 v13, v6;
	v13 =	vmul.f32 v4, v35;
	v6 =	vld.idx.msk [tilespmem:v62+s19+$0x0], $0xffff  }
0x1fb: {  	s31 =	simm.s32 $0x20;
	[tilespmem:s3+$0x380] =	vst v22;
	v23 =	vmul.f32 v7, v36;
	v12 =	vor.u32 $0x300, v1;
	v11 =	vor.u32 $0x180, v1;
	v7 =	vld.idx.msk [tilespmem:v63+s19+$0x0], $0xffff  }
0x1fc: {  	s9 =	sshllo.u32 s28, $0x1;
	s7 =	sand.u32 $0x60, s31;
	v21 =	vmul.f32 v21, v61;
	v18 =	vmul.f32 v18, v38;
	[tilespmem:s21+$0x80] =	vst v13;
	v13 =	vor.u32 $0x380, v1;
	v4 =	vld.idx.msk [tilespmem:v8+s19+$0x0], $0xffff  }
0x1fd: {  	s10 =	simm.s32 $0x2;
	s11 =	sadd.s32 $0x20, s11;
	s1 =	sor.u32 s7, s1;
	[tilespmem:s21+$0x100] =	vst v23;
	v20 =	vmul.f32 v20, v60;
	v8 =	vor.u32 $0x280, v1;
	v5 =	vld.idx.msk [tilespmem:v5+s19+$0x0], $0xffff;
	v19 =	vmul.f32 v19, v59  }
.LBB2_15:
0x1fe: {  	v22 =	vld [tilespmem:s11+$0x0];
	[tilespmem:s21+$0x180] =	vst v18  }
0x1ff: {  	v18 =	vld [tilespmem:s11+$0xFFFFFFF0];
	[tilespmem:s21+$0x200] =	vst v19  }
0x200: {  	v19 =	vld.idx.msk [tilespmem:v14+s19+$0x0], $0xffff;
	[tilespmem:s21+$0x280] =	vst v20  }
0x201: {  	v20 =	vld.idx.msk [tilespmem:v9+s18+$0x0], $0xffff;
	[tilespmem:s21+$0x300] =	vst v21  }
0x202: {  	v21 =	vld.idx.msk [tilespmem:v15+s18+$0x0], $0xffff;
	[tilespmem:s3+$0x0] =	vst v16;
	s3 =	smov.u32 s1  }
0x203: {  	s10 =	sadd.s32 $0x2, s10;
	v9 =	vshll.u32 v22, $0x3;
	v16 =	vld.idx.msk [tilespmem:v11+s18+$0x0], $0xffff;
	[tilespmem:s21+$0x0] =	vst v17  }
0x204: {  	p0 =	slt.u32 s10, $0x3E;
	v14 =	vand.u32 $0x7F, v22;
	v11 =	vshrl.u32 v18, $0x10;
	v9 =	vand.u32 $0x7C00, v9;
	v17 =	vld.idx.msk [tilespmem:v10+s18+$0x0], $0xffff  }
0x205: {  	v10 =	vshrl.u32 v18, $0xD;
	v15 =	vand.u32 $0x78, v11;
	v9 =	vor.u32 v9, v14;
	v23 =	vld.idx.msk [tilespmem:v8+s18+$0x0], $0xffff  }
0x206: {  	v8 =	vshll.u32 v18, $0x3;
	v10 =	vand.u32 $0x7FC00, v10;
	v14 =	vor.u32 $0x80, v9;
	v24 =	vld.idx.msk [tilespmem:v12+s18+$0x0], $0xffff  }
0x207: {  	v8 =	vand.u32 $0x7C00, v8;
	v10 =	vor.u32 v15, v10;
	v12 =	vor.u32 $0x100, v9;
	v25 =	vld.idx.msk [tilespmem:v13+s18+$0x0], $0xffff  }
0x208: {  	v15 =	vor.u32 $0x180, v9;
	v13 =	vshrl.u32 v22, $0x10;
	v22 =	vshrl.u32 v22, $0xD;
	v26 =	vld.idx.msk [tilespmem:v0+s19+$0x0], $0xffff  }
0x209: {  	v27 =	vor.u32 $0x200, v9;
	v0 =	vand.u32 $0x7FC00, v22;
	v22 =	vand.u32 $0x78, v13;
	v28 =	vld.idx.msk [tilespmem:v1+s18+$0x0], $0xffff  }
0x20a: {  	v30 =	vor.u32 $0x280, v9;
	v1 =	vand.u32 $0x7, v13;
	v0 =	vor.u32 v22, v0;
	v29 =	vld.idx.msk [tilespmem:v9+s18+$0x0], $0xffff  }
0x20b: {  	v11 =	vand.u32 $0x7, v11;
	v13 =	vor.u32 $0x380, v9;
	v31 =	vor.u32 v1, v0;
	v22 =	vld.idx.msk [tilespmem:v14+s18+$0x0], $0xffff  }
0x20c: {  	v1 =	vand.u32 $0x7F, v18;
	v0 =	vor.u32 v11, v10;
	v10 =	vor.u32 $0x380, v31;
	v18 =	vld.idx.msk [tilespmem:v12+s18+$0x0], $0xffff  }
0x20d: {  	v1 =	vor.u32 v8, v1;
	v32 =	vor.u32 $0x80, v0;
	v12 =	vor.u32 $0x300, v9;
	v33 =	vld.idx.msk [tilespmem:v15+s18+$0x0], $0xffff  }
0x20e: {  	v34 =	vor.u32 $0x100, v0;
	v35 =	vor.u32 $0x180, v0;
	v36 =	vor.u32 $0x200, v0;
	v27 =	vld.idx.msk [tilespmem:v27+s18+$0x0], $0xffff  }
0x20f: {  	v37 =	vor.u32 $0x280, v0;
	v38 =	vor.u32 $0x300, v0;
	v39 =	vor.u32 $0x80, v31;
	v30 =	vld.idx.msk [tilespmem:v30+s18+$0x0], $0xffff  }
0x210: {  	v14 =	vor.u32 $0x380, v0;
	v41 =	vor.u32 $0x100, v31;
	v9 =	vor.u32 $0x80, v1;
	v40 =	vld.idx.msk [tilespmem:v13+s18+$0x0], $0xffff  }
0x211: {  	v42 =	vor.u32 $0x180, v31;
	v11 =	vor.u32 $0x180, v1;
	v15 =	vor.u32 $0x100, v1;
	v43 =	vld.idx.msk [tilespmem:v10+s19+$0x0], $0xffff  }
0x212: {  	v45 =	vor.u32 $0x200, v31;
	v8 =	vor.u32 $0x280, v1;
	v10 =	vor.u32 $0x200, v1;
	v44 =	vld.idx.msk [tilespmem:v12+s18+$0x0], $0xffff  }
0x213: {  	v47 =	vor.u32 $0x280, v31;
	v13 =	vor.u32 $0x380, v1;
	v12 =	vor.u32 $0x300, v1;
	v46 =	vld.idx.msk [tilespmem:v31+s19+$0x0], $0xffff  }
0x214: {  	v2 =	vmul.f32 v2, v20;
	v3 =	vmul.f32 v3, v21;
	v31 =	vor.u32 $0x300, v31;
	v39 =	vld.idx.msk [tilespmem:v39+s19+$0x0], $0xffff  }
0x215: {  	s6 =	sadd.s32 $0x100, s6;
	v4 =	vmul.f32 v4, v16;
	v5 =	vmul.f32 v5, v17;
	v20 =	vld.idx.msk [tilespmem:v41+s19+$0x0], $0xffff  }
0x216: {  	s8 =	sadd.s32 $0x20, s8;
	s1 =	sand.u32 $0x1C00, s6;
	v6 =	vmul.f32 v6, v23;
	v7 =	vmul.f32 v7, v24;
	v21 =	vld.idx.msk [tilespmem:v42+s19+$0x0], $0xffff;
	[tilespmem:s3+$0x80] =	vst v2  }
0x217: {  	s7 =	sadd.s32 $0xFFFFFFF0, s8;
	s1 =	sadd.s32 $0x1B000, s1;
	s21 =	sand.u32 $0x70, s8;
	v24 =	vmul.f32 v19, v25;
	v2 =	vmul.f32 v43, v40;
	v23 =	vld.idx.msk [tilespmem:v45+s19+$0x0], $0xffff;
	[tilespmem:s3+$0x100] =	vst v3  }
0x218: {  	s7 =	sand.u32 $0x60, s7;
	s21 =	sor.u32 s21, s1;
	v16 =	vmul.f32 v26, v28;
	v25 =	vld.idx.msk [tilespmem:v47+s19+$0x0], $0xffff;
	[tilespmem:s3+$0x180] =	vst v4  }
0x219: {  	s1 =	sor.u32 s7, s1;
	v17 =	vmul.f32 v46, v29;
	v26 =	vld.idx.msk [tilespmem:v31+s19+$0x0], $0xffff;
	[tilespmem:s21+$0x380] =	vst v2  }
0x21a: {  	v22 =	vmul.f32 v39, v22;
	v2 =	vld.idx.msk [tilespmem:v32+s19+$0x0], $0xffff;
	[tilespmem:s3+$0x200] =	vst v5  }
.Ltmp11:
0x21b: {  	v28 =	vmul.f32 v20, v18;
	v3 =	vld.idx.msk [tilespmem:v34+s19+$0x0], $0xffff;
	[tilespmem:s3+$0x280] =	vst v6;
	(pc) =	sbr.rel @p0 .LBB2_15-.Ltmp11, $4  }
0x21c: {  	v18 =	vmul.f32 v21, v33;
	v4 =	vld.idx.msk [tilespmem:v35+s19+$0x0], $0xffff;
	[tilespmem:s3+$0x300] =	vst v7  }
0x21d: {  	v19 =	vmul.f32 v23, v27;
	v5 =	vld.idx.msk [tilespmem:v36+s19+$0x0], $0xffff;
	[tilespmem:s3+$0x380] =	vst v24  }
0x21e: {  	v20 =	vmul.f32 v25, v30;
	v6 =	vld.idx.msk [tilespmem:v37+s19+$0x0], $0xffff;
	[tilespmem:s21+$0x80] =	vst v22  }
0x21f: {  	s11 =	sadd.s32 $0x20, s11;
	v21 =	vmul.f32 v26, v44;
	v7 =	vld.idx.msk [tilespmem:v38+s19+$0x0], $0xffff;
	[tilespmem:s21+$0x100] =	vst v28  }
0x220: {  	_ =	sdelay $0x3  }
0x221: {  	v14 =	vld.idx.msk [tilespmem:v14+s19+$0x0], $0xffff  }
0x222: {  	v9 =	vld.idx.msk [tilespmem:v9+s18+$0x0], $0xffff  }
0x223: {  	v15 =	vld.idx.msk [tilespmem:v15+s18+$0x0], $0xffff  }
0x224: {  	v11 =	vld.idx.msk [tilespmem:v11+s18+$0x0], $0xffff;
	[tilespmem:s21+$0x180] =	vst v18  }
0x225: {  	v10 =	vld.idx.msk [tilespmem:v10+s18+$0x0], $0xffff;
	[tilespmem:s21+$0x200] =	vst v19  }
0x226: {  	v8 =	vld.idx.msk [tilespmem:v8+s18+$0x0], $0xffff;
	[tilespmem:s21+$0x280] =	vst v20  }
0x227: {  	v12 =	vld.idx.msk [tilespmem:v12+s18+$0x0], $0xffff;
	[tilespmem:s3+$0x0] =	vst v16  }
0x228: {  	v13 =	vld.idx.msk [tilespmem:v13+s18+$0x0], $0xffff;
	[tilespmem:s21+$0x0] =	vst v17;
	v2 =	vmul.f32 v2, v9  }
0x229: {  	v0 =	vld.idx.msk [tilespmem:v0+s19+$0x0], $0xffff;
	[tilespmem:s21+$0x300] =	vst v21;
	v3 =	vmul.f32 v3, v15  }
0x22a: {  	v1 =	vld.idx.msk [tilespmem:v1+s18+$0x0], $0xffff;
	v4 =	vmul.f32 v4, v11;
	[tilespmem:s1+$0x80] =	vst v2  }
0x22b: {  	v60 =	vmul.f32 v5, v10;
	[tilespmem:s1+$0x100] =	vst v3  }
0x22c: {  	s28 =	sadd.s32 $0x1, s28;
	v61 =	vmul.f32 v6, v8;
	[tilespmem:s1+$0x180] =	vst v4  }
0x22d: {  	s30 =	smul.u32 $0x9C4000, s9;
	p0 =	sne.s32 s28, $0xA;
	v62 =	vmul.f32 v7, v12;
	[tilespmem:s1+$0x200] =	vst v60  }
.Ltmp12:
0x22e: {  	v63 =	vmul.f32 v14, v13;
	[tilespmem:s1+$0x280] =	vst v61;
	(pc) =	sbr.rel @p0 .LBB2_12-.Ltmp12, $4  }
.Ltmp13:
0x22f: {  	s3 =	sadd.s32 s0, s30;
	v0 =	vmul.f32 v0, v1;
	[tilespmem:s1+$0x300] =	vst v62;
	(pc) =	sbr.rel @!p0 .LBB2_17-.Ltmp13, $4  }
0x230: {  	s3 =	sshrl.u32 s3, $0x3;
	[tilespmem:s1+$0x380] =	vst v63  }
0x231: {  	s26 =	sadd.s32 $0x800, s26;
	s25 =	sadd.s32 $0x800, s25;
	s31 =	sadd.s32 s2, s3;
	[tilespmem:s1+$0x0] =	vst v0  }
0x232: {  	[hbm4b:s31+s4] =	stream.linear.scatter [tilespmem:s16], [sflag:$0x2], $0x2000, $0x38;
	[tilespmem:$0x1D000] =	vst v63  }
0x233: {  	_ = 	snop  }
.LBB2_19:
0x234: {  	_ =	sfence.sel $0x180000  }
0x235: {  	[bflag:$0x0] =	sbarrier.arrive $0xFFFF  }
0x236: {  	_ =	strace $0x90000047  }
0x237: {  	s0 =	stileid.u32;
	[bflag:$0x2] =	sbarrier.arrive $0xFFFF  }
0x238: {  	p0 =	sne.s32 s0, $0x0;
	s0 =	rddreg [dreg:$0x3]  }
0x239: {  	s0 =	sadd.s32 @!p0 $0x100000, s0  }
0x23a: {  	[sflag:s0] =	ssyncadd.tile.s32 @!p0 $0x1;
	_ =	shalt  }
.Lfunc_end2:
_tile_overlayer_lowered:
.L_overlay_start_2:
0x23b: {  	(tag) =	ssettag $0x2  }
0x23c: {  	s0 =	rddreg [dreg:$0x0];
	s2 =	stileid.u32  }
0x23d: {  	s1 =	rddreg [dreg:$0x1];
	p0 =	sne.s32 s2, $0x0  }
0x23e: {  	s3 =	rddreg [dreg:$0x2];
	[bflag:$0x3] =	sbarrier.arrive $0xFFFF;
	s2 =	simm.s32 @!p0 $0x1C04  }
0x23f: {  	[timem:s3], [sflag:s2] =	dma.local @!p0 [hbm:s0], s1  }
0x240: {  	s0 =	simm.s32 @!p0 $0x4  }
0x241: {  	_ =	swait.ge @!p0 [sflag:s0], s1  }
0x242: {  	s1 =	ssub.s32 @!p0 $0x0, s1;
	[sflag:s0] =	ssyncset.done @!p0 $0x0  }
0x243: {  	[sflag:s0] =	ssyncadd.s32 @!p0 s1  }
0x244: {  	[bflag:$0x3] =	sbarrier.arrive $0xFFFF  }
0x245: {  	_ =	shalt  }

</sc_bundles>
